<compile_context>
chip_gen: v7x
topology: tpu7x:2x2x1
jax: 0.10.2.dev20260603
libtpu: 0.0.44.dev20260713+nightly
codegen_flags: <defaults>
</compile_context>

<pallas_src>
import functools

import jax
import jax.numpy as jnp
from jax import lax
from jax.experimental import pallas as pl
from jax.experimental.pallas import tpu as pltpu
from jax.experimental.pallas import tpu_sc as plsc

_NUM_CORES = 2
_NUM_SUBCORES = 16
_NUM_WORKERS = _NUM_CORES * _NUM_SUBCORES

_VOCAB_BLOCK = 2048


@functools.cache
def _make_sc_gather(V, D, B):
    assert B % (8 * _NUM_WORKERS) == 0
    assert D == 16
    b_per_w = B // _NUM_WORKERS
    mesh = plsc.VectorSubcoreMesh(core_axis_name="c", subcore_axis_name="s")

    @functools.partial(
        pl.kernel,
        mesh=mesh,
        out_type=jax.ShapeDtypeStruct((D * B,), jnp.float32),
        scratch_types=[
            pltpu.VMEM((b_per_w,), jnp.int32),
            pltpu.VMEM((b_per_w, D, 128), jnp.float32),
            pltpu.VMEM((D, b_per_w), jnp.float32),
            pltpu.SemaphoreType.DMA,
        ],
        compiler_params=pltpu.CompilerParams(needs_layout_passes=False),
    )
    def gather(tabt_hbm, idx_hbm, out_hbm, idx_v, slabs_v, vals_v, sem):
        wid = lax.axis_index("s") * _NUM_CORES + lax.axis_index("c")
        base = wid * b_per_w
        pltpu.sync_copy(idx_hbm.at[pl.ds(base, b_per_w)], idx_v)
        lane_ids = lax.iota(jnp.int32, 16)
        chunks = [idx_v[pl.ds(c * 16, 16)] for c in range(b_per_w // 16)]

        def scalar_idx(j):
            sel = chunks[0]
            for c in range(1, len(chunks)):
                sel = jnp.where(j >= c * 16, chunks[c], sel)
            onehot = lane_ids == (j & 15)
            return jnp.sum(jnp.where(onehot, sel, 0))

        def fire(j, carry):
            m = pl.multiple_of((scalar_idx(j) >> 7) << 7, 128)
            pltpu.async_copy(
                tabt_hbm.at[:, pl.ds(m, 128)], slabs_v.at[j], sem
            )
            return carry

        lax.fori_loop(0, b_per_w, fire, 0, unroll=False)

        def drain(j, carry):
            pltpu.make_async_copy(
                tabt_hbm.at[:, pl.ds(0, 128)], slabs_v.at[0], sem
            ).wait()
            return carry

        lax.fori_loop(0, b_per_w, drain, 0, unroll=False)

        def extract(j, carry):
            col = scalar_idx(j) & 127
            vals = plsc.load_gather(
                slabs_v,
                [jnp.full((16,), j, jnp.int32), lane_ids,
                 jnp.full((16,), col, jnp.int32)],
            )
            plsc.store_scatter(
                vals_v, [lane_ids, jnp.full((16,), j, jnp.int32)], vals
            )
            return carry

        lax.fori_loop(0, b_per_w, extract, 0, unroll=False)
        for k in range(D):
            pltpu.sync_copy(
                vals_v.at[k], out_hbm.at[pl.ds(k * B + base, b_per_w)]
            )

    return gather


@functools.cache
def _make_projection(B, E, V):

    def body(wt_ref, b_ref, embt_ref, out_ref):
        wa = jnp.concatenate(
            [wt_ref[...], b_ref[...].reshape(1, _VOCAB_BLOCK)], axis=0
        )
        rows = [embt_ref[pl.ds(k * B, B)].reshape(1, B) for k in range(E)]
        ea = jnp.concatenate(rows + [jnp.ones((1, B), jnp.float32)], axis=0)
        out_ref[...] = lax.dot_general(
            wa,
            ea,
            dimension_numbers=(((0,), (0,)), ((), ())),
            preferred_element_type=jnp.float32,
        )

    nt = pl.cdiv(V, _VOCAB_BLOCK)
    return pl.pallas_call(
        body,
        grid=(nt,),
        in_specs=[
            pl.BlockSpec((E, _VOCAB_BLOCK), lambda i: (0, i)),
            pl.BlockSpec((_VOCAB_BLOCK,), lambda i: (i,)),
            pl.BlockSpec((E * B,), lambda i: (0,)),
        ],
        out_specs=pl.BlockSpec((_VOCAB_BLOCK, B), lambda i: (i, 0)),
        out_shape=jax.ShapeDtypeStruct((V, B), jnp.float32),
        compiler_params=pltpu.CompilerParams(
            dimension_semantics=("arbitrary",),
            vmem_limit_bytes=100 * 1024 * 1024,
        ),
    )


def kernel(center_idx, emb_table, W, b):
    idx = center_idx.astype(jnp.int32)
    V, E = emb_table.shape
    B = idx.shape[0]
    emb_t_flat = _make_sc_gather(V, E, B)(emb_table.T, idx)
    out_t = _make_projection(B, E, V)(W.T, b, emb_t_flat)
    return out_t.T

# --- scband reference (transcript-rebuilt; emitter-appended) ---
"""Pipeline reference for scband-word2-vec-model-52664888984244 (READ-ONLY COPY).

The authoritative reference and input builder live on the scoring server;
editing this copy changes nothing except your own understanding.
"""

import jax, jax.numpy as jnp
import numpy as np

VOCAB = 100000
EMB = 16
BATCH = 1024

def setup_inputs(seed: int = 0) -> dict:
    key = jax.random.key(seed)
    k1, k2, k3, k4 = jax.random.split(key, 4)
    center_idx = jax.random.randint(k1, (BATCH,), 0, VOCAB, dtype=jnp.int64 if jax.config.read('jax_enable_x64') else jnp.int32)
    emb_table = jax.random.normal(k2, (VOCAB, EMB), dtype=jnp.float32)
    # torch nn.Linear(embedding_size, vocab_size): weight [vocab, emb], bias [vocab]
    W = jax.random.normal(k3, (VOCAB, EMB), dtype=jnp.float32) * (1.0 / np.sqrt(EMB))
    b = jax.random.normal(k4, (VOCAB,), dtype=jnp.float32) * 0.01
    return {"center_idx": center_idx, "emb_table": emb_table, "W": W, "b": b}

def reference(center_idx, emb_table, W, b):
    # embedding lookup (SparseCore gather)
    emb = jnp.take(emb_table, center_idx, axis=0)           # [B, EMB]
    # linear projection to vocab logits
    out = emb @ W.T + b                                      # [B, VOCAB]
    return out

if __name__ == "__main__":
    import jax
    _d = setup_inputs()
    print(jax.jit(kernel)(*tuple(_d.values())))

</pallas_src>

<mosaic_0001>
#map = affine_map<(d0, d1) -> (0, 0)>
#map1 = affine_map<(d0, d1) -> (0)>
module attributes {stable_mosaic.version = 14 : i64} {
  func.func @gather(%arg0: i32, %arg1: i32, %arg2: memref<16x100000xf32, #tpu.memory_space<hbm>>, %arg3: memref<1024xi32, #tpu.memory_space<hbm>>, %arg4: memref<16384xf32, #tpu.memory_space<hbm>>, %arg5: memref<32xi32, #tpu.memory_space<vmem>>, %arg6: memref<32x16x128xf32, #tpu.memory_space<vmem>>, %arg7: memref<16x32xf32, #tpu.memory_space<vmem>>, %arg8: memref<!tpu.dma_semaphore, #tpu.memory_space<semaphore_mem>>) attributes {dimension_semantics = [#tpu.dimension_semantics<core_parallel>, #tpu.dimension_semantics<subcore_parallel>], iteration_bounds = array<i64: 2, 16>, scalar_prefetch = 0 : i64, scratch_operands = 4 : i64, tpu.core_type = #tpu.core_type<sc_vector_subcore>, window_params = [{transform_indices = #map}, {transform_indices = #map1}, {transform_indices = #map1}]} {
    %mul3A = arith.constant 2 : i32
    %mul3A_0 = arith.muli %arg1, %mul3A : i32
    %add3A = arith.addi %mul3A_0, %arg0 : i32
    %mul3A_1 = arith.constant 32 : i32
    %mul3A_2 = arith.muli %add3A, %mul3A_1 : i32
    "tpu.region"() ({
      %run_scoped3A_70 = tpu.sem_alloc : memref<!tpu.dma_semaphore, #tpu.memory_space<semaphore_mem>>
      %dma_start3A = tpu.memref_slice %arg3[%mul3A_2] : memref<1024xi32, #tpu.memory_space<hbm>> -> memref<32xi32, #tpu.memory_space<hbm>>
      %dma_start3A_71 = tpu.memref_slice %arg3[%mul3A_2] : memref<1024xi32, #tpu.memory_space<hbm>> -> memref<32xi32, #tpu.memory_space<hbm>>
      tpu.enqueue_dma source(%dma_start3A_71 : memref<32xi32, #tpu.memory_space<hbm>>) target(%arg5 : memref<32xi32, #tpu.memory_space<vmem>>) target_semaphore(%run_scoped3A_70 : memref<!tpu.dma_semaphore, #tpu.memory_space<semaphore_mem>>)
      %dma_wait3A = tpu.memref_slice %arg3[%mul3A_2] : memref<1024xi32, #tpu.memory_space<hbm>> -> memref<32xi32, #tpu.memory_space<hbm>>
      %dma_wait3A_72 = tpu.memref_slice %arg3[%mul3A_2] : memref<1024xi32, #tpu.memory_space<hbm>> -> memref<32xi32, #tpu.memory_space<hbm>>
      tpu.wait_dma2 semaphore(%run_scoped3A_70 : memref<!tpu.dma_semaphore, #tpu.memory_space<semaphore_mem>>) src(%dma_wait3A_72 : memref<32xi32, #tpu.memory_space<hbm>>) dst(%arg5 : memref<32xi32, #tpu.memory_space<vmem>>)
      tpu.yield
    }) : () -> ()
    %iota3A = tpu.iota {dimensions = array<i32: 0>} : vector<16xi32>
    %get3A = arith.constant 0 : index
    %get3A_3 = tpu.vector_load %arg5[%get3A] {strides = array<i32>} : memref<32xi32, #tpu.memory_space<vmem>>, vector<16xi32>,
    %get3A_4 = arith.constant 16 : index
    %get3A_5 = tpu.vector_load %arg5[%get3A_4] {strides = array<i32>} : memref<32xi32, #tpu.memory_space<vmem>>, vector<16xi32>,
    %scan3A = arith.constant 0 : i32
    %scan3A_6 = arith.constant 0 : i32
    %scan3A_7 = arith.constant 32 : i32
    %scan3A_8 = arith.addi %scan3A_6, %scan3A_7 : i32
    %scan3A_9 = arith.constant 1 : i32
    scf.for %scan3A_70 = %scan3A_6 to %scan3A_8 step %scan3A_9  : i32 {
      %ge3A = arith.constant 16 : i32
      %ge3A_71 = arith.cmpi sge, %scan3A_70, %ge3A : i32
      %select_n3A = arith.select %ge3A_71, %get3A_5, %get3A_3 : vector<16xi32>
      %and3A = arith.constant 15 : i32
      %and3A_72 = arith.andi %scan3A_70, %and3A : i32
      %eq3A = vector.broadcast %and3A_72 : i32 to vector<16xi32>
      %eq3A_73 = arith.cmpi eq, %iota3A, %eq3A : vector<16xi32>
      %jit3A = arith.constant 0 : i32
      %broadcast_in_dim3A = vector.broadcast %jit3A : i32 to vector<16xi32>
      %select_n3A_74 = arith.select %eq3A_73, %select_n3A, %broadcast_in_dim3A : vector<16xi1>, vector<16xi32>
      %reduce_sum3A = arith.constant true
      %reduce_sum3A_75 = vector.broadcast %reduce_sum3A : i1 to vector<16xi1>
      %reduce_sum3A_76 = tpu.scan <sum>, %select_n3A_74 masked %reduce_sum3A_75 : vector<16xi32>, vector<16xi1> -> vector<16xi32>
      %reduce_sum3A_77 = vector.extract %reduce_sum3A_76[15] : i32 from vector<16xi32>
      %shift_right_arithmetic3A = arith.constant 7 : i32
      %shift_right_arithmetic3A_78 = arith.shrsi %reduce_sum3A_77, %shift_right_arithmetic3A : i32
      %shift_left3A = arith.constant 7 : i32
      %shift_left3A_79 = arith.shli %shift_right_arithmetic3A_78, %shift_left3A : i32
      %multiple_of3A = tpu.assume_multiple %shift_left3A_79, 128 : i32
      %dma_start3A = arith.constant 0 : i32
      %dma_start3A_80 = arith.constant 0 : i32
      %dma_start3A_81 = tpu.memref_slice %arg6[%scan3A_70, %dma_start3A, %dma_start3A_80] : memref<32x16x128xf32, #tpu.memory_space<vmem>> -> memref<1x16x128xf32, #tpu.memory_space<vmem>>
      %dma_start3A_82 = tpu.memref_squeeze %dma_start3A_81 : memref<1x16x128xf32, #tpu.memory_space<vmem>> -> memref<16x128xf32, #tpu.memory_space<vmem>>
      %dma_start3A_83 = arith.constant 0 : i32
      %dma_start3A_84 = tpu.memref_slice %arg2[%dma_start3A_83, %multiple_of3A] : memref<16x100000xf32, #tpu.memory_space<hbm>> -> memref<16x128xf32, #tpu.memory_space<hbm>>
      %dma_start3A_85 = arith.constant 0 : i32
      %dma_start3A_86 = arith.constant 0 : i32
      %dma_start3A_87 = tpu.memref_slice %arg6[%scan3A_70, %dma_start3A_85, %dma_start3A_86] : memref<32x16x128xf32, #tpu.memory_space<vmem>> -> memref<1x16x128xf32, #tpu.memory_space<vmem>>
      %dma_start3A_88 = tpu.memref_squeeze %dma_start3A_87 : memref<1x16x128xf32, #tpu.memory_space<vmem>> -> memref<16x128xf32, #tpu.memory_space<vmem>>
      %dma_start3A_89 = arith.constant 0 : i32
      %dma_start3A_90 = tpu.memref_slice %arg2[%dma_start3A_89, %multiple_of3A] : memref<16x100000xf32, #tpu.memory_space<hbm>> -> memref<16x128xf32, #tpu.memory_space<hbm>>
      tpu.enqueue_dma source(%dma_start3A_90 : memref<16x128xf32, #tpu.memory_space<hbm>>) target(%dma_start3A_88 : memref<16x128xf32, #tpu.memory_space<vmem>>) target_semaphore(%arg8 : memref<!tpu.dma_semaphore, #tpu.memory_space<semaphore_mem>>)
    }
    %scan3A_10 = arith.constant 32 : i32
    %scan3A_11 = arith.constant 0 : i32
    %scan3A_12 = arith.constant 0 : i32
    %scan3A_13 = arith.constant 32 : i32
    %scan3A_14 = arith.addi %scan3A_12, %scan3A_13 : i32
    %scan3A_15 = arith.constant 1 : i32
    scf.for %scan3A_70 = %scan3A_12 to %scan3A_14 step %scan3A_15  : i32 {
      %dma_wait3A = arith.constant 0 : i32
      %dma_wait3A_71 = arith.constant 0 : i32
      %dma_wait3A_72 = arith.constant 0 : i32
      %dma_wait3A_73 = tpu.memref_slice %arg6[%dma_wait3A, %dma_wait3A_71, %dma_wait3A_72] : memref<32x16x128xf32, #tpu.memory_space<vmem>> -> memref<1x16x128xf32, #tpu.memory_space<vmem>>
      %dma_wait3A_74 = tpu.memref_squeeze %dma_wait3A_73 : memref<1x16x128xf32, #tpu.memory_space<vmem>> -> memref<16x128xf32, #tpu.memory_space<vmem>>
      %dma_wait3A_75 = arith.constant 0 : i32
      %dma_wait3A_76 = arith.constant 0 : i32
      %dma_wait3A_77 = tpu.memref_slice %arg2[%dma_wait3A_75, %dma_wait3A_76] : memref<16x100000xf32, #tpu.memory_space<hbm>> -> memref<16x128xf32, #tpu.memory_space<hbm>>
      %dma_wait3A_78 = arith.constant 0 : i32
      %dma_wait3A_79 = arith.constant 0 : i32
      %dma_wait3A_80 = tpu.memref_slice %arg6[%dma_wait3A, %dma_wait3A_78, %dma_wait3A_79] : memref<32x16x128xf32, #tpu.memory_space<vmem>> -> memref<1x16x128xf32, #tpu.memory_space<vmem>>
      %dma_wait3A_81 = tpu.memref_squeeze %dma_wait3A_80 : memref<1x16x128xf32, #tpu.memory_space<vmem>> -> memref<16x128xf32, #tpu.memory_space<vmem>>
      %dma_wait3A_82 = arith.constant 0 : i32
      %dma_wait3A_83 = arith.constant 0 : i32
      %dma_wait3A_84 = tpu.memref_slice %arg2[%dma_wait3A_82, %dma_wait3A_83] : memref<16x100000xf32, #tpu.memory_space<hbm>> -> memref<16x128xf32, #tpu.memory_space<hbm>>
      tpu.wait_dma2 semaphore(%arg8 : memref<!tpu.dma_semaphore, #tpu.memory_space<semaphore_mem>>) src(%dma_wait3A_84 : memref<16x128xf32, #tpu.memory_space<hbm>>) dst(%dma_wait3A_81 : memref<16x128xf32, #tpu.memory_space<vmem>>)
    }
    %scan3A_16 = arith.constant 32 : i32
    %scan3A_17 = arith.constant 0 : i32
    %scan3A_18 = arith.constant 0 : i32
    %scan3A_19 = arith.constant 32 : i32
    %scan3A_20 = arith.addi %scan3A_18, %scan3A_19 : i32
    %scan3A_21 = arith.constant 1 : i32
    scf.for %scan3A_70 = %scan3A_18 to %scan3A_20 step %scan3A_21  : i32 {
      %ge3A = arith.constant 16 : i32
      %ge3A_71 = arith.cmpi sge, %scan3A_70, %ge3A : i32
      %select_n3A = arith.select %ge3A_71, %get3A_5, %get3A_3 : vector<16xi32>
      %and3A = arith.constant 15 : i32
      %and3A_72 = arith.andi %scan3A_70, %and3A : i32
      %eq3A = vector.broadcast %and3A_72 : i32 to vector<16xi32>
      %eq3A_73 = arith.cmpi eq, %iota3A, %eq3A : vector<16xi32>
      %jit3A = arith.constant 0 : i32
      %broadcast_in_dim3A = vector.broadcast %jit3A : i32 to vector<16xi32>
      %select_n3A_74 = arith.select %eq3A_73, %select_n3A, %broadcast_in_dim3A : vector<16xi1>, vector<16xi32>
      %reduce_sum3A = arith.constant true
      %reduce_sum3A_75 = vector.broadcast %reduce_sum3A : i1 to vector<16xi1>
      %reduce_sum3A_76 = tpu.scan <sum>, %select_n3A_74 masked %reduce_sum3A_75 : vector<16xi32>, vector<16xi1> -> vector<16xi32>
      %reduce_sum3A_77 = vector.extract %reduce_sum3A_76[15] : i32 from vector<16xi32>
      %and3A_78 = arith.constant 127 : i32
      %and3A_79 = arith.andi %reduce_sum3A_77, %and3A_78 : i32
      %broadcast_in_dim3A_80 = vector.broadcast %scan3A_70 : i32 to vector<16xi32>
      %broadcast_in_dim3A_81 = vector.broadcast %and3A_79 : i32 to vector<16xi32>
      %gather3A = tpu.vector_load_idx %arg6[%broadcast_in_dim3A_80, %iota3A, %broadcast_in_dim3A_81] : memref<32x16x128xf32, #tpu.memory_space<vmem>>[vector<16xi32>, vector<16xi32>, vector<16xi32>], vector<16xf32>,
      %broadcast_in_dim3A_82 = vector.broadcast %scan3A_70 : i32 to vector<16xi32>
      tpu.vector_store_idx %arg7[%iota3A, %broadcast_in_dim3A_82], %gather3A : memref<16x32xf32, #tpu.memory_space<vmem>>[vector<16xi32>, vector<16xi32>], vector<16xf32>,
    }
    %scan3A_22 = arith.constant 32 : i32
    %add3A_23 = arith.constant 0 : i32
    %add3A_24 = arith.addi %add3A_23, %mul3A_2 : i32
    %run_scoped3A = arith.constant 0 : i32
    "tpu.region"() ({
      %run_scoped3A_70 = tpu.sem_alloc : memref<!tpu.dma_semaphore, #tpu.memory_space<semaphore_mem>>
      %dma_start3A = arith.constant 0 : i32
      %dma_start3A_71 = tpu.memref_slice %arg7[%run_scoped3A, %dma_start3A] : memref<16x32xf32, #tpu.memory_space<vmem>> -> memref<1x32xf32, #tpu.memory_space<vmem>>
      %dma_start3A_72 = tpu.memref_squeeze %dma_start3A_71 : memref<1x32xf32, #tpu.memory_space<vmem>> -> memref<32xf32, #tpu.memory_space<vmem>>
      %dma_start3A_73 = tpu.memref_slice %arg4[%add3A_24] : memref<16384xf32, #tpu.memory_space<hbm>> -> memref<32xf32, #tpu.memory_space<hbm>>
      %dma_start3A_74 = tpu.memref_slice %arg4[%add3A_24] : memref<16384xf32, #tpu.memory_space<hbm>> -> memref<32xf32, #tpu.memory_space<hbm>>
      %dma_start3A_75 = arith.constant 0 : i32
      %dma_start3A_76 = tpu.memref_slice %arg7[%run_scoped3A, %dma_start3A_75] : memref<16x32xf32, #tpu.memory_space<vmem>> -> memref<1x32xf32, #tpu.memory_space<vmem>>
      %dma_start3A_77 = tpu.memref_squeeze %dma_start3A_76 : memref<1x32xf32, #tpu.memory_space<vmem>> -> memref<32xf32, #tpu.memory_space<vmem>>
      tpu.enqueue_dma source(%dma_start3A_77 : memref<32xf32, #tpu.memory_space<vmem>>) target(%dma_start3A_74 : memref<32xf32, #tpu.memory_space<hbm>>) target_semaphore(%run_scoped3A_70 : memref<!tpu.dma_semaphore, #tpu.memory_space<semaphore_mem>>)
      %dma_wait3A = arith.constant 0 : i32
      %dma_wait3A_78 = tpu.memref_slice %arg7[%run_scoped3A, %dma_wait3A] : memref<16x32xf32, #tpu.memory_space<vmem>> -> memref<1x32xf32, #tpu.memory_space<vmem>>
      %dma_wait3A_79 = tpu.memref_squeeze %dma_wait3A_78 : memref<1x32xf32, #tpu.memory_space<vmem>> -> memref<32xf32, #tpu.memory_space<vmem>>
      %dma_wait3A_80 = tpu.memref_slice %arg4[%add3A_24] : memref<16384xf32, #tpu.memory_space<hbm>> -> memref<32xf32, #tpu.memory_space<hbm>>
      %dma_wait3A_81 = tpu.memref_slice %arg4[%add3A_24] : memref<16384xf32, #tpu.memory_space<hbm>> -> memref<32xf32, #tpu.memory_space<hbm>>
      %dma_wait3A_82 = arith.constant 0 : i32
      %dma_wait3A_83 = tpu.memref_slice %arg7[%run_scoped3A, %dma_wait3A_82] : memref<16x32xf32, #tpu.memory_space<vmem>> -> memref<1x32xf32, #tpu.memory_space<vmem>>
      %dma_wait3A_84 = tpu.memref_squeeze %dma_wait3A_83 : memref<1x32xf32, #tpu.memory_space<vmem>> -> memref<32xf32, #tpu.memory_space<vmem>>
      tpu.wait_dma2 semaphore(%run_scoped3A_70 : memref<!tpu.dma_semaphore, #tpu.memory_space<semaphore_mem>>) src(%dma_wait3A_84 : memref<32xf32, #tpu.memory_space<vmem>>) dst(%dma_wait3A_81 : memref<32xf32, #tpu.memory_space<hbm>>)
      tpu.yield
    }) : () -> ()
    %add3A_25 = arith.constant 1024 : i32
    %add3A_26 = arith.addi %add3A_25, %mul3A_2 : i32
    %run_scoped3A_27 = arith.constant 1 : i32
    "tpu.region"() ({
      %run_scoped3A_70 = tpu.sem_alloc : memref<!tpu.dma_semaphore, #tpu.memory_space<semaphore_mem>>
      %dma_start3A = arith.constant 0 : i32
      %dma_start3A_71 = tpu.memref_slice %arg7[%run_scoped3A_27, %dma_start3A] : memref<16x32xf32, #tpu.memory_space<vmem>> -> memref<1x32xf32, #tpu.memory_space<vmem>>
      %dma_start3A_72 = tpu.memref_squeeze %dma_start3A_71 : memref<1x32xf32, #tpu.memory_space<vmem>> -> memref<32xf32, #tpu.memory_space<vmem>>
      %dma_start3A_73 = tpu.memref_slice %arg4[%add3A_26] : memref<16384xf32, #tpu.memory_space<hbm>> -> memref<32xf32, #tpu.memory_space<hbm>>
      %dma_start3A_74 = tpu.memref_slice %arg4[%add3A_26] : memref<16384xf32, #tpu.memory_space<hbm>> -> memref<32xf32, #tpu.memory_space<hbm>>
      %dma_start3A_75 = arith.constant 0 : i32
      %dma_start3A_76 = tpu.memref_slice %arg7[%run_scoped3A_27, %dma_start3A_75] : memref<16x32xf32, #tpu.memory_space<vmem>> -> memref<1x32xf32, #tpu.memory_space<vmem>>
      %dma_start3A_77 = tpu.memref_squeeze %dma_start3A_76 : memref<1x32xf32, #tpu.memory_space<vmem>> -> memref<32xf32, #tpu.memory_space<vmem>>
      tpu.enqueue_dma source(%dma_start3A_77 : memref<32xf32, #tpu.memory_space<vmem>>) target(%dma_start3A_74 : memref<32xf32, #tpu.memory_space<hbm>>) target_semaphore(%run_scoped3A_70 : memref<!tpu.dma_semaphore, #tpu.memory_space<semaphore_mem>>)
      %dma_wait3A = arith.constant 0 : i32
      %dma_wait3A_78 = tpu.memref_slice %arg7[%run_scoped3A_27, %dma_wait3A] : memref<16x32xf32, #tpu.memory_space<vmem>> -> memref<1x32xf32, #tpu.memory_space<vmem>>
      %dma_wait3A_79 = tpu.memref_squeeze %dma_wait3A_78 : memref<1x32xf32, #tpu.memory_space<vmem>> -> memref<32xf32, #tpu.memory_space<vmem>>
      %dma_wait3A_80 = tpu.memref_slice %arg4[%add3A_26] : memref<16384xf32, #tpu.memory_space<hbm>> -> memref<32xf32, #tpu.memory_space<hbm>>
      %dma_wait3A_81 = tpu.memref_slice %arg4[%add3A_26] : memref<16384xf32, #tpu.memory_space<hbm>> -> memref<32xf32, #tpu.memory_space<hbm>>
      %dma_wait3A_82 = arith.constant 0 : i32
      %dma_wait3A_83 = tpu.memref_slice %arg7[%run_scoped3A_27, %dma_wait3A_82] : memref<16x32xf32, #tpu.memory_space<vmem>> -> memref<1x32xf32, #tpu.memory_space<vmem>>
      %dma_wait3A_84 = tpu.memref_squeeze %dma_wait3A_83 : memref<1x32xf32, #tpu.memory_space<vmem>> -> memref<32xf32, #tpu.memory_space<vmem>>
      tpu.wait_dma2 semaphore(%run_scoped3A_70 : memref<!tpu.dma_semaphore, #tpu.memory_space<semaphore_mem>>) src(%dma_wait3A_84 : memref<32xf32, #tpu.memory_space<vmem>>) dst(%dma_wait3A_81 : memref<32xf32, #tpu.memory_space<hbm>>)
      tpu.yield
    }) : () -> ()
    %add3A_28 = arith.constant 2048 : i32
    %add3A_29 = arith.addi %add3A_28, %mul3A_2 : i32
    %run_scoped3A_30 = arith.constant 2 : i32
    "tpu.region"() ({
      %run_scoped3A_70 = tpu.sem_alloc : memref<!tpu.dma_semaphore, #tpu.memory_space<semaphore_mem>>
      %dma_start3A = arith.constant 0 : i32
      %dma_start3A_71 = tpu.memref_slice %arg7[%run_scoped3A_30, %dma_start3A] : memref<16x32xf32, #tpu.memory_space<vmem>> -> memref<1x32xf32, #tpu.memory_space<vmem>>
      %dma_start3A_72 = tpu.memref_squeeze %dma_start3A_71 : memref<1x32xf32, #tpu.memory_space<vmem>> -> memref<32xf32, #tpu.memory_space<vmem>>
      %dma_start3A_73 = tpu.memref_slice %arg4[%add3A_29] : memref<16384xf32, #tpu.memory_space<hbm>> -> memref<32xf32, #tpu.memory_space<hbm>>
      %dma_start3A_74 = tpu.memref_slice %arg4[%add3A_29] : memref<16384xf32, #tpu.memory_space<hbm>> -> memref<32xf32, #tpu.memory_space<hbm>>
      %dma_start3A_75 = arith.constant 0 : i32
      %dma_start3A_76 = tpu.memref_slice %arg7[%run_scoped3A_30, %dma_start3A_75] : memref<16x32xf32, #tpu.memory_space<vmem>> -> memref<1x32xf32, #tpu.memory_space<vmem>>
      %dma_start3A_77 = tpu.memref_squeeze %dma_start3A_76 : memref<1x32xf32, #tpu.memory_space<vmem>> -> memref<32xf32, #tpu.memory_space<vmem>>
      tpu.enqueue_dma source(%dma_start3A_77 : memref<32xf32, #tpu.memory_space<vmem>>) target(%dma_start3A_74 : memref<32xf32, #tpu.memory_space<hbm>>) target_semaphore(%run_scoped3A_70 : memref<!tpu.dma_semaphore, #tpu.memory_space<semaphore_mem>>)
      %dma_wait3A = arith.constant 0 : i32
      %dma_wait3A_78 = tpu.memref_slice %arg7[%run_scoped3A_30, %dma_wait3A] : memref<16x32xf32, #tpu.memory_space<vmem>> -> memref<1x32xf32, #tpu.memory_space<vmem>>
      %dma_wait3A_79 = tpu.memref_squeeze %dma_wait3A_78 : memref<1x32xf32, #tpu.memory_space<vmem>> -> memref<32xf32, #tpu.memory_space<vmem>>
      %dma_wait3A_80 = tpu.memref_slice %arg4[%add3A_29] : memref<16384xf32, #tpu.memory_space<hbm>> -> memref<32xf32, #tpu.memory_space<hbm>>
      %dma_wait3A_81 = tpu.memref_slice %arg4[%add3A_29] : memref<16384xf32, #tpu.memory_space<hbm>> -> memref<32xf32, #tpu.memory_space<hbm>>
      %dma_wait3A_82 = arith.constant 0 : i32
      %dma_wait3A_83 = tpu.memref_slice %arg7[%run_scoped3A_30, %dma_wait3A_82] : memref<16x32xf32, #tpu.memory_space<vmem>> -> memref<1x32xf32, #tpu.memory_space<vmem>>
      %dma_wait3A_84 = tpu.memref_squeeze %dma_wait3A_83 : memref<1x32xf32, #tpu.memory_space<vmem>> -> memref<32xf32, #tpu.memory_space<vmem>>
      tpu.wait_dma2 semaphore(%run_scoped3A_70 : memref<!tpu.dma_semaphore, #tpu.memory_space<semaphore_mem>>) src(%dma_wait3A_84 : memref<32xf32, #tpu.memory_space<vmem>>) dst(%dma_wait3A_81 : memref<32xf32, #tpu.memory_space<hbm>>)
      tpu.yield
    }) : () -> ()
    %add3A_31 = arith.constant 3072 : i32
    %add3A_32 = arith.addi %add3A_31, %mul3A_2 : i32
    %run_scoped3A_33 = arith.constant 3 : i32
    "tpu.region"() ({
      %run_scoped3A_70 = tpu.sem_alloc : memref<!tpu.dma_semaphore, #tpu.memory_space<semaphore_mem>>
      %dma_start3A = arith.constant 0 : i32
      %dma_start3A_71 = tpu.memref_slice %arg7[%run_scoped3A_33, %dma_start3A] : memref<16x32xf32, #tpu.memory_space<vmem>> -> memref<1x32xf32, #tpu.memory_space<vmem>>
      %dma_start3A_72 = tpu.memref_squeeze %dma_start3A_71 : memref<1x32xf32, #tpu.memory_space<vmem>> -> memref<32xf32, #tpu.memory_space<vmem>>
      %dma_start3A_73 = tpu.memref_slice %arg4[%add3A_32] : memref<16384xf32, #tpu.memory_space<hbm>> -> memref<32xf32, #tpu.memory_space<hbm>>
      %dma_start3A_74 = tpu.memref_slice %arg4[%add3A_32] : memref<16384xf32, #tpu.memory_space<hbm>> -> memref<32xf32, #tpu.memory_space<hbm>>
      %dma_start3A_75 = arith.constant 0 : i32
      %dma_start3A_76 = tpu.memref_slice %arg7[%run_scoped3A_33, %dma_start3A_75] : memref<16x32xf32, #tpu.memory_space<vmem>> -> memref<1x32xf32, #tpu.memory_space<vmem>>
      %dma_start3A_77 = tpu.memref_squeeze %dma_start3A_76 : memref<1x32xf32, #tpu.memory_space<vmem>> -> memref<32xf32, #tpu.memory_space<vmem>>
      tpu.enqueue_dma source(%dma_start3A_77 : memref<32xf32, #tpu.memory_space<vmem>>) target(%dma_start3A_74 : memref<32xf32, #tpu.memory_space<hbm>>) target_semaphore(%run_scoped3A_70 : memref<!tpu.dma_semaphore, #tpu.memory_space<semaphore_mem>>)
      %dma_wait3A = arith.constant 0 : i32
      %dma_wait3A_78 = tpu.memref_slice %arg7[%run_scoped3A_33, %dma_wait3A] : memref<16x32xf32, #tpu.memory_space<vmem>> -> memref<1x32xf32, #tpu.memory_space<vmem>>
      %dma_wait3A_79 = tpu.memref_squeeze %dma_wait3A_78 : memref<1x32xf32, #tpu.memory_space<vmem>> -> memref<32xf32, #tpu.memory_space<vmem>>
      %dma_wait3A_80 = tpu.memref_slice %arg4[%add3A_32] : memref<16384xf32, #tpu.memory_space<hbm>> -> memref<32xf32, #tpu.memory_space<hbm>>
      %dma_wait3A_81 = tpu.memref_slice %arg4[%add3A_32] : memref<16384xf32, #tpu.memory_space<hbm>> -> memref<32xf32, #tpu.memory_space<hbm>>
      %dma_wait3A_82 = arith.constant 0 : i32
      %dma_wait3A_83 = tpu.memref_slice %arg7[%run_scoped3A_33, %dma_wait3A_82] : memref<16x32xf32, #tpu.memory_space<vmem>> -> memref<1x32xf32, #tpu.memory_space<vmem>>
      %dma_wait3A_84 = tpu.memref_squeeze %dma_wait3A_83 : memref<1x32xf32, #tpu.memory_space<vmem>> -> memref<32xf32, #tpu.memory_space<vmem>>
      tpu.wait_dma2 semaphore(%run_scoped3A_70 : memref<!tpu.dma_semaphore, #tpu.memory_space<semaphore_mem>>) src(%dma_wait3A_84 : memref<32xf32, #tpu.memory_space<vmem>>) dst(%dma_wait3A_81 : memref<32xf32, #tpu.memory_space<hbm>>)
      tpu.yield
    }) : () -> ()
    %add3A_34 = arith.constant 4096 : i32
    %add3A_35 = arith.addi %add3A_34, %mul3A_2 : i32
    %run_scoped3A_36 = arith.constant 4 : i32
    "tpu.region"() ({
      %run_scoped3A_70 = tpu.sem_alloc : memref<!tpu.dma_semaphore, #tpu.memory_space<semaphore_mem>>
      %dma_start3A = arith.constant 0 : i32
      %dma_start3A_71 = tpu.memref_slice %arg7[%run_scoped3A_36, %dma_start3A] : memref<16x32xf32, #tpu.memory_space<vmem>> -> memref<1x32xf32, #tpu.memory_space<vmem>>
      %dma_start3A_72 = tpu.memref_squeeze %dma_start3A_71 : memref<1x32xf32, #tpu.memory_space<vmem>> -> memref<32xf32, #tpu.memory_space<vmem>>
      %dma_start3A_73 = tpu.memref_slice %arg4[%add3A_35] : memref<16384xf32, #tpu.memory_space<hbm>> -> memref<32xf32, #tpu.memory_space<hbm>>
      %dma_start3A_74 = tpu.memref_slice %arg4[%add3A_35] : memref<16384xf32, #tpu.memory_space<hbm>> -> memref<32xf32, #tpu.memory_space<hbm>>
      %dma_start3A_75 = arith.constant 0 : i32
      %dma_start3A_76 = tpu.memref_slice %arg7[%run_scoped3A_36, %dma_start3A_75] : memref<16x32xf32, #tpu.memory_space<vmem>> -> memref<1x32xf32, #tpu.memory_space<vmem>>
      %dma_start3A_77 = tpu.memref_squeeze %dma_start3A_76 : memref<1x32xf32, #tpu.memory_space<vmem>> -> memref<32xf32, #tpu.memory_space<vmem>>
      tpu.enqueue_dma source(%dma_start3A_77 : memref<32xf32, #tpu.memory_space<vmem>>) target(%dma_start3A_74 : memref<32xf32, #tpu.memory_space<hbm>>) target_semaphore(%run_scoped3A_70 : memref<!tpu.dma_semaphore, #tpu.memory_space<semaphore_mem>>)
      %dma_wait3A = arith.constant 0 : i32
      %dma_wait3A_78 = tpu.memref_slice %arg7[%run_scoped3A_36, %dma_wait3A] : memref<16x32xf32, #tpu.memory_space<vmem>> -> memref<1x32xf32, #tpu.memory_space<vmem>>
      %dma_wait3A_79 = tpu.memref_squeeze %dma_wait3A_78 : memref<1x32xf32, #tpu.memory_space<vmem>> -> memref<32xf32, #tpu.memory_space<vmem>>
      %dma_wait3A_80 = tpu.memref_slice %arg4[%add3A_35] : memref<16384xf32, #tpu.memory_space<hbm>> -> memref<32xf32, #tpu.memory_space<hbm>>
      %dma_wait3A_81 = tpu.memref_slice %arg4[%add3A_35] : memref<16384xf32, #tpu.memory_space<hbm>> -> memref<32xf32, #tpu.memory_space<hbm>>
      %dma_wait3A_82 = arith.constant 0 : i32
      %dma_wait3A_83 = tpu.memref_slice %arg7[%run_scoped3A_36, %dma_wait3A_82] : memref<16x32xf32, #tpu.memory_space<vmem>> -> memref<1x32xf32, #tpu.memory_space<vmem>>
      %dma_wait3A_84 = tpu.memref_squeeze %dma_wait3A_83 : memref<1x32xf32, #tpu.memory_space<vmem>> -> memref<32xf32, #tpu.memory_space<vmem>>
      tpu.wait_dma2 semaphore(%run_scoped3A_70 : memref<!tpu.dma_semaphore, #tpu.memory_space<semaphore_mem>>) src(%dma_wait3A_84 : memref<32xf32, #tpu.memory_space<vmem>>) dst(%dma_wait3A_81 : memref<32xf32, #tpu.memory_space<hbm>>)
      tpu.yield
    }) : () -> ()
    %add3A_37 = arith.constant 5120 : i32
    %add3A_38 = arith.addi %add3A_37, %mul3A_2 : i32
    %run_scoped3A_39 = arith.constant 5 : i32
    "tpu.region"() ({
      %run_scoped3A_70 = tpu.sem_alloc : memref<!tpu.dma_semaphore, #tpu.memory_space<semaphore_mem>>
      %dma_start3A = arith.constant 0 : i32
      %dma_start3A_71 = tpu.memref_slice %arg7[%run_scoped3A_39, %dma_start3A] : memref<16x32xf32, #tpu.memory_space<vmem>> -> memref<1x32xf32, #tpu.memory_space<vmem>>
      %dma_start3A_72 = tpu.memref_squeeze %dma_start3A_71 : memref<1x32xf32, #tpu.memory_space<vmem>> -> memref<32xf32, #tpu.memory_space<vmem>>
      %dma_start3A_73 = tpu.memref_slice %arg4[%add3A_38] : memref<16384xf32, #tpu.memory_space<hbm>> -> memref<32xf32, #tpu.memory_space<hbm>>
      %dma_start3A_74 = tpu.memref_slice %arg4[%add3A_38] : memref<16384xf32, #tpu.memory_space<hbm>> -> memref<32xf32, #tpu.memory_space<hbm>>
      %dma_start3A_75 = arith.constant 0 : i32
      %dma_start3A_76 = tpu.memref_slice %arg7[%run_scoped3A_39, %dma_start3A_75] : memref<16x32xf32, #tpu.memory_space<vmem>> -> memref<1x32xf32, #tpu.memory_space<vmem>>
      %dma_start3A_77 = tpu.memref_squeeze %dma_start3A_76 : memref<1x32xf32, #tpu.memory_space<vmem>> -> memref<32xf32, #tpu.memory_space<vmem>>
      tpu.enqueue_dma source(%dma_start3A_77 : memref<32xf32, #tpu.memory_space<vmem>>) target(%dma_start3A_74 : memref<32xf32, #tpu.memory_space<hbm>>) target_semaphore(%run_scoped3A_70 : memref<!tpu.dma_semaphore, #tpu.memory_space<semaphore_mem>>)
      %dma_wait3A = arith.constant 0 : i32
      %dma_wait3A_78 = tpu.memref_slice %arg7[%run_scoped3A_39, %dma_wait3A] : memref<16x32xf32, #tpu.memory_space<vmem>> -> memref<1x32xf32, #tpu.memory_space<vmem>>
      %dma_wait3A_79 = tpu.memref_squeeze %dma_wait3A_78 : memref<1x32xf32, #tpu.memory_space<vmem>> -> memref<32xf32, #tpu.memory_space<vmem>>
      %dma_wait3A_80 = tpu.memref_slice %arg4[%add3A_38] : memref<16384xf32, #tpu.memory_space<hbm>> -> memref<32xf32, #tpu.memory_space<hbm>>
      %dma_wait3A_81 = tpu.memref_slice %arg4[%add3A_38] : memref<16384xf32, #tpu.memory_space<hbm>> -> memref<32xf32, #tpu.memory_space<hbm>>
      %dma_wait3A_82 = arith.constant 0 : i32
      %dma_wait3A_83 = tpu.memref_slice %arg7[%run_scoped3A_39, %dma_wait3A_82] : memref<16x32xf32, #tpu.memory_space<vmem>> -> memref<1x32xf32, #tpu.memory_space<vmem>>
      %dma_wait3A_84 = tpu.memref_squeeze %dma_wait3A_83 : memref<1x32xf32, #tpu.memory_space<vmem>> -> memref<32xf32, #tpu.memory_space<vmem>>
      tpu.wait_dma2 semaphore(%run_scoped3A_70 : memref<!tpu.dma_semaphore, #tpu.memory_space<semaphore_mem>>) src(%dma_wait3A_84 : memref<32xf32, #tpu.memory_space<vmem>>) dst(%dma_wait3A_81 : memref<32xf32, #tpu.memory_space<hbm>>)
      tpu.yield
    }) : () -> ()
    %add3A_40 = arith.constant 6144 : i32
    %add3A_41 = arith.addi %add3A_40, %mul3A_2 : i32
    %run_scoped3A_42 = arith.constant 6 : i32
    "tpu.region"() ({
      %run_scoped3A_70 = tpu.sem_alloc : memref<!tpu.dma_semaphore, #tpu.memory_space<semaphore_mem>>
      %dma_start3A = arith.constant 0 : i32
      %dma_start3A_71 = tpu.memref_slice %arg7[%run_scoped3A_42, %dma_start3A] : memref<16x32xf32, #tpu.memory_space<vmem>> -> memref<1x32xf32, #tpu.memory_space<vmem>>
      %dma_start3A_72 = tpu.memref_squeeze %dma_start3A_71 : memref<1x32xf32, #tpu.memory_space<vmem>> -> memref<32xf32, #tpu.memory_space<vmem>>
      %dma_start3A_73 = tpu.memref_slice %arg4[%add3A_41] : memref<16384xf32, #tpu.memory_space<hbm>> -> memref<32xf32, #tpu.memory_space<hbm>>
      %dma_start3A_74 = tpu.memref_slice %arg4[%add3A_41] : memref<16384xf32, #tpu.memory_space<hbm>> -> memref<32xf32, #tpu.memory_space<hbm>>
      %dma_start3A_75 = arith.constant 0 : i32
      %dma_start3A_76 = tpu.memref_slice %arg7[%run_scoped3A_42, %dma_start3A_75] : memref<16x32xf32, #tpu.memory_space<vmem>> -> memref<1x32xf32, #tpu.memory_space<vmem>>
      %dma_start3A_77 = tpu.memref_squeeze %dma_start3A_76 : memref<1x32xf32, #tpu.memory_space<vmem>> -> memref<32xf32, #tpu.memory_space<vmem>>
      tpu.enqueue_dma source(%dma_start3A_77 : memref<32xf32, #tpu.memory_space<vmem>>) target(%dma_start3A_74 : memref<32xf32, #tpu.memory_space<hbm>>) target_semaphore(%run_scoped3A_70 : memref<!tpu.dma_semaphore, #tpu.memory_space<semaphore_mem>>)
      %dma_wait3A = arith.constant 0 : i32
      %dma_wait3A_78 = tpu.memref_slice %arg7[%run_scoped3A_42, %dma_wait3A] : memref<16x32xf32, #tpu.memory_space<vmem>> -> memref<1x32xf32, #tpu.memory_space<vmem>>
      %dma_wait3A_79 = tpu.memref_squeeze %dma_wait3A_78 : memref<1x32xf32, #tpu.memory_space<vmem>> -> memref<32xf32, #tpu.memory_space<vmem>>
      %dma_wait3A_80 = tpu.memref_slice %arg4[%add3A_41] : memref<16384xf32, #tpu.memory_space<hbm>> -> memref<32xf32, #tpu.memory_space<hbm>>
      %dma_wait3A_81 = tpu.memref_slice %arg4[%add3A_41] : memref<16384xf32, #tpu.memory_space<hbm>> -> memref<32xf32, #tpu.memory_space<hbm>>
      %dma_wait3A_82 = arith.constant 0 : i32
      %dma_wait3A_83 = tpu.memref_slice %arg7[%run_scoped3A_42, %dma_wait3A_82] : memref<16x32xf32, #tpu.memory_space<vmem>> -> memref<1x32xf32, #tpu.memory_space<vmem>>
      %dma_wait3A_84 = tpu.memref_squeeze %dma_wait3A_83 : memref<1x32xf32, #tpu.memory_space<vmem>> -> memref<32xf32, #tpu.memory_space<vmem>>
      tpu.wait_dma2 semaphore(%run_scoped3A_70 : memref<!tpu.dma_semaphore, #tpu.memory_space<semaphore_mem>>) src(%dma_wait3A_84 : memref<32xf32, #tpu.memory_space<vmem>>) dst(%dma_wait3A_81 : memref<32xf32, #tpu.memory_space<hbm>>)
      tpu.yield
    }) : () -> ()
    %add3A_43 = arith.constant 7168 : i32
    %add3A_44 = arith.addi %add3A_43, %mul3A_2 : i32
    %run_scoped3A_45 = arith.constant 7 : i32
    "tpu.region"() ({
      %run_scoped3A_70 = tpu.sem_alloc : memref<!tpu.dma_semaphore, #tpu.memory_space<semaphore_mem>>
      %dma_start3A = arith.constant 0 : i32
      %dma_start3A_71 = tpu.memref_slice %arg7[%run_scoped3A_45, %dma_start3A] : memref<16x32xf32, #tpu.memory_space<vmem>> -> memref<1x32xf32, #tpu.memory_space<vmem>>
      %dma_start3A_72 = tpu.memref_squeeze %dma_start3A_71 : memref<1x32xf32, #tpu.memory_space<vmem>> -> memref<32xf32, #tpu.memory_space<vmem>>
      %dma_start3A_73 = tpu.memref_slice %arg4[%add3A_44] : memref<16384xf32, #tpu.memory_space<hbm>> -> memref<32xf32, #tpu.memory_space<hbm>>
      %dma_start3A_74 = tpu.memref_slice %arg4[%add3A_44] : memref<16384xf32, #tpu.memory_space<hbm>> -> memref<32xf32, #tpu.memory_space<hbm>>
      %dma_start3A_75 = arith.constant 0 : i32
      %dma_start3A_76 = tpu.memref_slice %arg7[%run_scoped3A_45, %dma_start3A_75] : memref<16x32xf32, #tpu.memory_space<vmem>> -> memref<1x32xf32, #tpu.memory_space<vmem>>
      %dma_start3A_77 = tpu.memref_squeeze %dma_start3A_76 : memref<1x32xf32, #tpu.memory_space<vmem>> -> memref<32xf32, #tpu.memory_space<vmem>>
      tpu.enqueue_dma source(%dma_start3A_77 : memref<32xf32, #tpu.memory_space<vmem>>) target(%dma_start3A_74 : memref<32xf32, #tpu.memory_space<hbm>>) target_semaphore(%run_scoped3A_70 : memref<!tpu.dma_semaphore, #tpu.memory_space<semaphore_mem>>)
      %dma_wait3A = arith.constant 0 : i32
      %dma_wait3A_78 = tpu.memref_slice %arg7[%run_scoped3A_45, %dma_wait3A] : memref<16x32xf32, #tpu.memory_space<vmem>> -> memref<1x32xf32, #tpu.memory_space<vmem>>
      %dma_wait3A_79 = tpu.memref_squeeze %dma_wait3A_78 : memref<1x32xf32, #tpu.memory_space<vmem>> -> memref<32xf32, #tpu.memory_space<vmem>>
      %dma_wait3A_80 = tpu.memref_slice %arg4[%add3A_44] : memref<16384xf32, #tpu.memory_space<hbm>> -> memref<32xf32, #tpu.memory_space<hbm>>
      %dma_wait3A_81 = tpu.memref_slice %arg4[%add3A_44] : memref<16384xf32, #tpu.memory_space<hbm>> -> memref<32xf32, #tpu.memory_space<hbm>>
      %dma_wait3A_82 = arith.constant 0 : i32
      %dma_wait3A_83 = tpu.memref_slice %arg7[%run_scoped3A_45, %dma_wait3A_82] : memref<16x32xf32, #tpu.memory_space<vmem>> -> memref<1x32xf32, #tpu.memory_space<vmem>>
      %dma_wait3A_84 = tpu.memref_squeeze %dma_wait3A_83 : memref<1x32xf32, #tpu.memory_space<vmem>> -> memref<32xf32, #tpu.memory_space<vmem>>
      tpu.wait_dma2 semaphore(%run_scoped3A_70 : memref<!tpu.dma_semaphore, #tpu.memory_space<semaphore_mem>>) src(%dma_wait3A_84 : memref<32xf32, #tpu.memory_space<vmem>>) dst(%dma_wait3A_81 : memref<32xf32, #tpu.memory_space<hbm>>)
      tpu.yield
    }) : () -> ()
    %add3A_46 = arith.constant 8192 : i32
    %add3A_47 = arith.addi %add3A_46, %mul3A_2 : i32
    %run_scoped3A_48 = arith.constant 8 : i32
    "tpu.region"() ({
      %run_scoped3A_70 = tpu.sem_alloc : memref<!tpu.dma_semaphore, #tpu.memory_space<semaphore_mem>>
      %dma_start3A = arith.constant 0 : i32
      %dma_start3A_71 = tpu.memref_slice %arg7[%run_scoped3A_48, %dma_start3A] : memref<16x32xf32, #tpu.memory_space<vmem>> -> memref<1x32xf32, #tpu.memory_space<vmem>>
      %dma_start3A_72 = tpu.memref_squeeze %dma_start3A_71 : memref<1x32xf32, #tpu.memory_space<vmem>> -> memref<32xf32, #tpu.memory_space<vmem>>
      %dma_start3A_73 = tpu.memref_slice %arg4[%add3A_47] : memref<16384xf32, #tpu.memory_space<hbm>> -> memref<32xf32, #tpu.memory_space<hbm>>
      %dma_start3A_74 = tpu.memref_slice %arg4[%add3A_47] : memref<16384xf32, #tpu.memory_space<hbm>> -> memref<32xf32, #tpu.memory_space<hbm>>
      %dma_start3A_75 = arith.constant 0 : i32
      %dma_start3A_76 = tpu.memref_slice %arg7[%run_scoped3A_48, %dma_start3A_75] : memref<16x32xf32, #tpu.memory_space<vmem>> -> memref<1x32xf32, #tpu.memory_space<vmem>>
      %dma_start3A_77 = tpu.memref_squeeze %dma_start3A_76 : memref<1x32xf32, #tpu.memory_space<vmem>> -> memref<32xf32, #tpu.memory_space<vmem>>
      tpu.enqueue_dma source(%dma_start3A_77 : memref<32xf32, #tpu.memory_space<vmem>>) target(%dma_start3A_74 : memref<32xf32, #tpu.memory_space<hbm>>) target_semaphore(%run_scoped3A_70 : memref<!tpu.dma_semaphore, #tpu.memory_space<semaphore_mem>>)
      %dma_wait3A = arith.constant 0 : i32
      %dma_wait3A_78 = tpu.memref_slice %arg7[%run_scoped3A_48, %dma_wait3A] : memref<16x32xf32, #tpu.memory_space<vmem>> -> memref<1x32xf32, #tpu.memory_space<vmem>>
      %dma_wait3A_79 = tpu.memref_squeeze %dma_wait3A_78 : memref<1x32xf32, #tpu.memory_space<vmem>> -> memref<32xf32, #tpu.memory_space<vmem>>
      %dma_wait3A_80 = tpu.memref_slice %arg4[%add3A_47] : memref<16384xf32, #tpu.memory_space<hbm>> -> memref<32xf32, #tpu.memory_space<hbm>>
      %dma_wait3A_81 = tpu.memref_slice %arg4[%add3A_47] : memref<16384xf32, #tpu.memory_space<hbm>> -> memref<32xf32, #tpu.memory_space<hbm>>
      %dma_wait3A_82 = arith.constant 0 : i32
      %dma_wait3A_83 = tpu.memref_slice %arg7[%run_scoped3A_48, %dma_wait3A_82] : memref<16x32xf32, #tpu.memory_space<vmem>> -> memref<1x32xf32, #tpu.memory_space<vmem>>
      %dma_wait3A_84 = tpu.memref_squeeze %dma_wait3A_83 : memref<1x32xf32, #tpu.memory_space<vmem>> -> memref<32xf32, #tpu.memory_space<vmem>>
      tpu.wait_dma2 semaphore(%run_scoped3A_70 : memref<!tpu.dma_semaphore, #tpu.memory_space<semaphore_mem>>) src(%dma_wait3A_84 : memref<32xf32, #tpu.memory_space<vmem>>) dst(%dma_wait3A_81 : memref<32xf32, #tpu.memory_space<hbm>>)
      tpu.yield
    }) : () -> ()
    %add3A_49 = arith.constant 9216 : i32
    %add3A_50 = arith.addi %add3A_49, %mul3A_2 : i32
    %run_scoped3A_51 = arith.constant 9 : i32
    "tpu.region"() ({
      %run_scoped3A_70 = tpu.sem_alloc : memref<!tpu.dma_semaphore, #tpu.memory_space<semaphore_mem>>
      %dma_start3A = arith.constant 0 : i32
      %dma_start3A_71 = tpu.memref_slice %arg7[%run_scoped3A_51, %dma_start3A] : memref<16x32xf32, #tpu.memory_space<vmem>> -> memref<1x32xf32, #tpu.memory_space<vmem>>
      %dma_start3A_72 = tpu.memref_squeeze %dma_start3A_71 : memref<1x32xf32, #tpu.memory_space<vmem>> -> memref<32xf32, #tpu.memory_space<vmem>>
      %dma_start3A_73 = tpu.memref_slice %arg4[%add3A_50] : memref<16384xf32, #tpu.memory_space<hbm>> -> memref<32xf32, #tpu.memory_space<hbm>>
      %dma_start3A_74 = tpu.memref_slice %arg4[%add3A_50] : memref<16384xf32, #tpu.memory_space<hbm>> -> memref<32xf32, #tpu.memory_space<hbm>>
      %dma_start3A_75 = arith.constant 0 : i32
      %dma_start3A_76 = tpu.memref_slice %arg7[%run_scoped3A_51, %dma_start3A_75] : memref<16x32xf32, #tpu.memory_space<vmem>> -> memref<1x32xf32, #tpu.memory_space<vmem>>
      %dma_start3A_77 = tpu.memref_squeeze %dma_start3A_76 : memref<1x32xf32, #tpu.memory_space<vmem>> -> memref<32xf32, #tpu.memory_space<vmem>>
      tpu.enqueue_dma source(%dma_start3A_77 : memref<32xf32, #tpu.memory_space<vmem>>) target(%dma_start3A_74 : memref<32xf32, #tpu.memory_space<hbm>>) target_semaphore(%run_scoped3A_70 : memref<!tpu.dma_semaphore, #tpu.memory_space<semaphore_mem>>)
      %dma_wait3A = arith.constant 0 : i32
      %dma_wait3A_78 = tpu.memref_slice %arg7[%run_scoped3A_51, %dma_wait3A] : memref<16x32xf32, #tpu.memory_space<vmem>> -> memref<1x32xf32, #tpu.memory_space<vmem>>
      %dma_wait3A_79 = tpu.memref_squeeze %dma_wait3A_78 : memref<1x32xf32, #tpu.memory_space<vmem>> -> memref<32xf32, #tpu.memory_space<vmem>>
      %dma_wait3A_80 = tpu.memref_slice %arg4[%add3A_50] : memref<16384xf32, #tpu.memory_space<hbm>> -> memref<32xf32, #tpu.memory_space<hbm>>
      %dma_wait3A_81 = tpu.memref_slice %arg4[%add3A_50] : memref<16384xf32, #tpu.memory_space<hbm>> -> memref<32xf32, #tpu.memory_space<hbm>>
      %dma_wait3A_82 = arith.constant 0 : i32
      %dma_wait3A_83 = tpu.memref_slice %arg7[%run_scoped3A_51, %dma_wait3A_82] : memref<16x32xf32, #tpu.memory_space<vmem>> -> memref<1x32xf32, #tpu.memory_space<vmem>>
      %dma_wait3A_84 = tpu.memref_squeeze %dma_wait3A_83 : memref<1x32xf32, #tpu.memory_space<vmem>> -> memref<32xf32, #tpu.memory_space<vmem>>
      tpu.wait_dma2 semaphore(%run_scoped3A_70 : memref<!tpu.dma_semaphore, #tpu.memory_space<semaphore_mem>>) src(%dma_wait3A_84 : memref<32xf32, #tpu.memory_space<vmem>>) dst(%dma_wait3A_81 : memref<32xf32, #tpu.memory_space<hbm>>)
      tpu.yield
    }) : () -> ()
    %add3A_52 = arith.constant 10240 : i32
    %add3A_53 = arith.addi %add3A_52, %mul3A_2 : i32
    %run_scoped3A_54 = arith.constant 10 : i32
    "tpu.region"() ({
      %run_scoped3A_70 = tpu.sem_alloc : memref<!tpu.dma_semaphore, #tpu.memory_space<semaphore_mem>>
      %dma_start3A = arith.constant 0 : i32
      %dma_start3A_71 = tpu.memref_slice %arg7[%run_scoped3A_54, %dma_start3A] : memref<16x32xf32, #tpu.memory_space<vmem>> -> memref<1x32xf32, #tpu.memory_space<vmem>>
      %dma_start3A_72 = tpu.memref_squeeze %dma_start3A_71 : memref<1x32xf32, #tpu.memory_space<vmem>> -> memref<32xf32, #tpu.memory_space<vmem>>
      %dma_start3A_73 = tpu.memref_slice %arg4[%add3A_53] : memref<16384xf32, #tpu.memory_space<hbm>> -> memref<32xf32, #tpu.memory_space<hbm>>
      %dma_start3A_74 = tpu.memref_slice %arg4[%add3A_53] : memref<16384xf32, #tpu.memory_space<hbm>> -> memref<32xf32, #tpu.memory_space<hbm>>
      %dma_start3A_75 = arith.constant 0 : i32
      %dma_start3A_76 = tpu.memref_slice %arg7[%run_scoped3A_54, %dma_start3A_75] : memref<16x32xf32, #tpu.memory_space<vmem>> -> memref<1x32xf32, #tpu.memory_space<vmem>>
      %dma_start3A_77 = tpu.memref_squeeze %dma_start3A_76 : memref<1x32xf32, #tpu.memory_space<vmem>> -> memref<32xf32, #tpu.memory_space<vmem>>
      tpu.enqueue_dma source(%dma_start3A_77 : memref<32xf32, #tpu.memory_space<vmem>>) target(%dma_start3A_74 : memref<32xf32, #tpu.memory_space<hbm>>) target_semaphore(%run_scoped3A_70 : memref<!tpu.dma_semaphore, #tpu.memory_space<semaphore_mem>>)
      %dma_wait3A = arith.constant 0 : i32
      %dma_wait3A_78 = tpu.memref_slice %arg7[%run_scoped3A_54, %dma_wait3A] : memref<16x32xf32, #tpu.memory_space<vmem>> -> memref<1x32xf32, #tpu.memory_space<vmem>>
      %dma_wait3A_79 = tpu.memref_squeeze %dma_wait3A_78 : memref<1x32xf32, #tpu.memory_space<vmem>> -> memref<32xf32, #tpu.memory_space<vmem>>
      %dma_wait3A_80 = tpu.memref_slice %arg4[%add3A_53] : memref<16384xf32, #tpu.memory_space<hbm>> -> memref<32xf32, #tpu.memory_space<hbm>>
      %dma_wait3A_81 = tpu.memref_slice %arg4[%add3A_53] : memref<16384xf32, #tpu.memory_space<hbm>> -> memref<32xf32, #tpu.memory_space<hbm>>
      %dma_wait3A_82 = arith.constant 0 : i32
      %dma_wait3A_83 = tpu.memref_slice %arg7[%run_scoped3A_54, %dma_wait3A_82] : memref<16x32xf32, #tpu.memory_space<vmem>> -> memref<1x32xf32, #tpu.memory_space<vmem>>
      %dma_wait3A_84 = tpu.memref_squeeze %dma_wait3A_83 : memref<1x32xf32, #tpu.memory_space<vmem>> -> memref<32xf32, #tpu.memory_space<vmem>>
      tpu.wait_dma2 semaphore(%run_scoped3A_70 : memref<!tpu.dma_semaphore, #tpu.memory_space<semaphore_mem>>) src(%dma_wait3A_84 : memref<32xf32, #tpu.memory_space<vmem>>) dst(%dma_wait3A_81 : memref<32xf32, #tpu.memory_space<hbm>>)
      tpu.yield
    }) : () -> ()
    %add3A_55 = arith.constant 11264 : i32
    %add3A_56 = arith.addi %add3A_55, %mul3A_2 : i32
    %run_scoped3A_57 = arith.constant 11 : i32
    "tpu.region"() ({
      %run_scoped3A_70 = tpu.sem_alloc : memref<!tpu.dma_semaphore, #tpu.memory_space<semaphore_mem>>
      %dma_start3A = arith.constant 0 : i32
      %dma_start3A_71 = tpu.memref_slice %arg7[%run_scoped3A_57, %dma_start3A] : memref<16x32xf32, #tpu.memory_space<vmem>> -> memref<1x32xf32, #tpu.memory_space<vmem>>
      %dma_start3A_72 = tpu.memref_squeeze %dma_start3A_71 : memref<1x32xf32, #tpu.memory_space<vmem>> -> memref<32xf32, #tpu.memory_space<vmem>>
      %dma_start3A_73 = tpu.memref_slice %arg4[%add3A_56] : memref<16384xf32, #tpu.memory_space<hbm>> -> memref<32xf32, #tpu.memory_space<hbm>>
      %dma_start3A_74 = tpu.memref_slice %arg4[%add3A_56] : memref<16384xf32, #tpu.memory_space<hbm>> -> memref<32xf32, #tpu.memory_space<hbm>>
      %dma_start3A_75 = arith.constant 0 : i32
      %dma_start3A_76 = tpu.memref_slice %arg7[%run_scoped3A_57, %dma_start3A_75] : memref<16x32xf32, #tpu.memory_space<vmem>> -> memref<1x32xf32, #tpu.memory_space<vmem>>
      %dma_start3A_77 = tpu.memref_squeeze %dma_start3A_76 : memref<1x32xf32, #tpu.memory_space<vmem>> -> memref<32xf32, #tpu.memory_space<vmem>>
      tpu.enqueue_dma source(%dma_start3A_77 : memref<32xf32, #tpu.memory_space<vmem>>) target(%dma_start3A_74 : memref<32xf32, #tpu.memory_space<hbm>>) target_semaphore(%run_scoped3A_70 : memref<!tpu.dma_semaphore, #tpu.memory_space<semaphore_mem>>)
      %dma_wait3A = arith.constant 0 : i32
      %dma_wait3A_78 = tpu.memref_slice %arg7[%run_scoped3A_57, %dma_wait3A] : memref<16x32xf32, #tpu.memory_space<vmem>> -> memref<1x32xf32, #tpu.memory_space<vmem>>
      %dma_wait3A_79 = tpu.memref_squeeze %dma_wait3A_78 : memref<1x32xf32, #tpu.memory_space<vmem>> -> memref<32xf32, #tpu.memory_space<vmem>>
      %dma_wait3A_80 = tpu.memref_slice %arg4[%add3A_56] : memref<16384xf32, #tpu.memory_space<hbm>> -> memref<32xf32, #tpu.memory_space<hbm>>
      %dma_wait3A_81 = tpu.memref_slice %arg4[%add3A_56] : memref<16384xf32, #tpu.memory_space<hbm>> -> memref<32xf32, #tpu.memory_space<hbm>>
      %dma_wait3A_82 = arith.constant 0 : i32
      %dma_wait3A_83 = tpu.memref_slice %arg7[%run_scoped3A_57, %dma_wait3A_82] : memref<16x32xf32, #tpu.memory_space<vmem>> -> memref<1x32xf32, #tpu.memory_space<vmem>>
      %dma_wait3A_84 = tpu.memref_squeeze %dma_wait3A_83 : memref<1x32xf32, #tpu.memory_space<vmem>> -> memref<32xf32, #tpu.memory_space<vmem>>
      tpu.wait_dma2 semaphore(%run_scoped3A_70 : memref<!tpu.dma_semaphore, #tpu.memory_space<semaphore_mem>>) src(%dma_wait3A_84 : memref<32xf32, #tpu.memory_space<vmem>>) dst(%dma_wait3A_81 : memref<32xf32, #tpu.memory_space<hbm>>)
      tpu.yield
    }) : () -> ()
    %add3A_58 = arith.constant 12288 : i32
    %add3A_59 = arith.addi %add3A_58, %mul3A_2 : i32
    %run_scoped3A_60 = arith.constant 12 : i32
    "tpu.region"() ({
      %run_scoped3A_70 = tpu.sem_alloc : memref<!tpu.dma_semaphore, #tpu.memory_space<semaphore_mem>>
      %dma_start3A = arith.constant 0 : i32
      %dma_start3A_71 = tpu.memref_slice %arg7[%run_scoped3A_60, %dma_start3A] : memref<16x32xf32, #tpu.memory_space<vmem>> -> memref<1x32xf32, #tpu.memory_space<vmem>>
      %dma_start3A_72 = tpu.memref_squeeze %dma_start3A_71 : memref<1x32xf32, #tpu.memory_space<vmem>> -> memref<32xf32, #tpu.memory_space<vmem>>
      %dma_start3A_73 = tpu.memref_slice %arg4[%add3A_59] : memref<16384xf32, #tpu.memory_space<hbm>> -> memref<32xf32, #tpu.memory_space<hbm>>
      %dma_start3A_74 = tpu.memref_slice %arg4[%add3A_59] : memref<16384xf32, #tpu.memory_space<hbm>> -> memref<32xf32, #tpu.memory_space<hbm>>
      %dma_start3A_75 = arith.constant 0 : i32
      %dma_start3A_76 = tpu.memref_slice %arg7[%run_scoped3A_60, %dma_start3A_75] : memref<16x32xf32, #tpu.memory_space<vmem>> -> memref<1x32xf32, #tpu.memory_space<vmem>>
      %dma_start3A_77 = tpu.memref_squeeze %dma_start3A_76 : memref<1x32xf32, #tpu.memory_space<vmem>> -> memref<32xf32, #tpu.memory_space<vmem>>
      tpu.enqueue_dma source(%dma_start3A_77 : memref<32xf32, #tpu.memory_space<vmem>>) target(%dma_start3A_74 : memref<32xf32, #tpu.memory_space<hbm>>) target_semaphore(%run_scoped3A_70 : memref<!tpu.dma_semaphore, #tpu.memory_space<semaphore_mem>>)
      %dma_wait3A = arith.constant 0 : i32
      %dma_wait3A_78 = tpu.memref_slice %arg7[%run_scoped3A_60, %dma_wait3A] : memref<16x32xf32, #tpu.memory_space<vmem>> -> memref<1x32xf32, #tpu.memory_space<vmem>>
      %dma_wait3A_79 = tpu.memref_squeeze %dma_wait3A_78 : memref<1x32xf32, #tpu.memory_space<vmem>> -> memref<32xf32, #tpu.memory_space<vmem>>
      %dma_wait3A_80 = tpu.memref_slice %arg4[%add3A_59] : memref<16384xf32, #tpu.memory_space<hbm>> -> memref<32xf32, #tpu.memory_space<hbm>>
      %dma_wait3A_81 = tpu.memref_slice %arg4[%add3A_59] : memref<16384xf32, #tpu.memory_space<hbm>> -> memref<32xf32, #tpu.memory_space<hbm>>
      %dma_wait3A_82 = arith.constant 0 : i32
      %dma_wait3A_83 = tpu.memref_slice %arg7[%run_scoped3A_60, %dma_wait3A_82] : memref<16x32xf32, #tpu.memory_space<vmem>> -> memref<1x32xf32, #tpu.memory_space<vmem>>
      %dma_wait3A_84 = tpu.memref_squeeze %dma_wait3A_83 : memref<1x32xf32, #tpu.memory_space<vmem>> -> memref<32xf32, #tpu.memory_space<vmem>>
      tpu.wait_dma2 semaphore(%run_scoped3A_70 : memref<!tpu.dma_semaphore, #tpu.memory_space<semaphore_mem>>) src(%dma_wait3A_84 : memref<32xf32, #tpu.memory_space<vmem>>) dst(%dma_wait3A_81 : memref<32xf32, #tpu.memory_space<hbm>>)
      tpu.yield
    }) : () -> ()
    %add3A_61 = arith.constant 13312 : i32
    %add3A_62 = arith.addi %add3A_61, %mul3A_2 : i32
    %run_scoped3A_63 = arith.constant 13 : i32
    "tpu.region"() ({
      %run_scoped3A_70 = tpu.sem_alloc : memref<!tpu.dma_semaphore, #tpu.memory_space<semaphore_mem>>
      %dma_start3A = arith.constant 0 : i32
      %dma_start3A_71 = tpu.memref_slice %arg7[%run_scoped3A_63, %dma_start3A] : memref<16x32xf32, #tpu.memory_space<vmem>> -> memref<1x32xf32, #tpu.memory_space<vmem>>
      %dma_start3A_72 = tpu.memref_squeeze %dma_start3A_71 : memref<1x32xf32, #tpu.memory_space<vmem>> -> memref<32xf32, #tpu.memory_space<vmem>>
      %dma_start3A_73 = tpu.memref_slice %arg4[%add3A_62] : memref<16384xf32, #tpu.memory_space<hbm>> -> memref<32xf32, #tpu.memory_space<hbm>>
      %dma_start3A_74 = tpu.memref_slice %arg4[%add3A_62] : memref<16384xf32, #tpu.memory_space<hbm>> -> memref<32xf32, #tpu.memory_space<hbm>>
      %dma_start3A_75 = arith.constant 0 : i32
      %dma_start3A_76 = tpu.memref_slice %arg7[%run_scoped3A_63, %dma_start3A_75] : memref<16x32xf32, #tpu.memory_space<vmem>> -> memref<1x32xf32, #tpu.memory_space<vmem>>
      %dma_start3A_77 = tpu.memref_squeeze %dma_start3A_76 : memref<1x32xf32, #tpu.memory_space<vmem>> -> memref<32xf32, #tpu.memory_space<vmem>>
      tpu.enqueue_dma source(%dma_start3A_77 : memref<32xf32, #tpu.memory_space<vmem>>) target(%dma_start3A_74 : memref<32xf32, #tpu.memory_space<hbm>>) target_semaphore(%run_scoped3A_70 : memref<!tpu.dma_semaphore, #tpu.memory_space<semaphore_mem>>)
      %dma_wait3A = arith.constant 0 : i32
      %dma_wait3A_78 = tpu.memref_slice %arg7[%run_scoped3A_63, %dma_wait3A] : memref<16x32xf32, #tpu.memory_space<vmem>> -> memref<1x32xf32, #tpu.memory_space<vmem>>
      %dma_wait3A_79 = tpu.memref_squeeze %dma_wait3A_78 : memref<1x32xf32, #tpu.memory_space<vmem>> -> memref<32xf32, #tpu.memory_space<vmem>>
      %dma_wait3A_80 = tpu.memref_slice %arg4[%add3A_62] : memref<16384xf32, #tpu.memory_space<hbm>> -> memref<32xf32, #tpu.memory_space<hbm>>
      %dma_wait3A_81 = tpu.memref_slice %arg4[%add3A_62] : memref<16384xf32, #tpu.memory_space<hbm>> -> memref<32xf32, #tpu.memory_space<hbm>>
      %dma_wait3A_82 = arith.constant 0 : i32
      %dma_wait3A_83 = tpu.memref_slice %arg7[%run_scoped3A_63, %dma_wait3A_82] : memref<16x32xf32, #tpu.memory_space<vmem>> -> memref<1x32xf32, #tpu.memory_space<vmem>>
      %dma_wait3A_84 = tpu.memref_squeeze %dma_wait3A_83 : memref<1x32xf32, #tpu.memory_space<vmem>> -> memref<32xf32, #tpu.memory_space<vmem>>
      tpu.wait_dma2 semaphore(%run_scoped3A_70 : memref<!tpu.dma_semaphore, #tpu.memory_space<semaphore_mem>>) src(%dma_wait3A_84 : memref<32xf32, #tpu.memory_space<vmem>>) dst(%dma_wait3A_81 : memref<32xf32, #tpu.memory_space<hbm>>)
      tpu.yield
    }) : () -> ()
    %add3A_64 = arith.constant 14336 : i32
    %add3A_65 = arith.addi %add3A_64, %mul3A_2 : i32
    %run_scoped3A_66 = arith.constant 14 : i32
    "tpu.region"() ({
      %run_scoped3A_70 = tpu.sem_alloc : memref<!tpu.dma_semaphore, #tpu.memory_space<semaphore_mem>>
      %dma_start3A = arith.constant 0 : i32
      %dma_start3A_71 = tpu.memref_slice %arg7[%run_scoped3A_66, %dma_start3A] : memref<16x32xf32, #tpu.memory_space<vmem>> -> memref<1x32xf32, #tpu.memory_space<vmem>>
      %dma_start3A_72 = tpu.memref_squeeze %dma_start3A_71 : memref<1x32xf32, #tpu.memory_space<vmem>> -> memref<32xf32, #tpu.memory_space<vmem>>
      %dma_start3A_73 = tpu.memref_slice %arg4[%add3A_65] : memref<16384xf32, #tpu.memory_space<hbm>> -> memref<32xf32, #tpu.memory_space<hbm>>
      %dma_start3A_74 = tpu.memref_slice %arg4[%add3A_65] : memref<16384xf32, #tpu.memory_space<hbm>> -> memref<32xf32, #tpu.memory_space<hbm>>
      %dma_start3A_75 = arith.constant 0 : i32
      %dma_start3A_76 = tpu.memref_slice %arg7[%run_scoped3A_66, %dma_start3A_75] : memref<16x32xf32, #tpu.memory_space<vmem>> -> memref<1x32xf32, #tpu.memory_space<vmem>>
      %dma_start3A_77 = tpu.memref_squeeze %dma_start3A_76 : memref<1x32xf32, #tpu.memory_space<vmem>> -> memref<32xf32, #tpu.memory_space<vmem>>
      tpu.enqueue_dma source(%dma_start3A_77 : memref<32xf32, #tpu.memory_space<vmem>>) target(%dma_start3A_74 : memref<32xf32, #tpu.memory_space<hbm>>) target_semaphore(%run_scoped3A_70 : memref<!tpu.dma_semaphore, #tpu.memory_space<semaphore_mem>>)
      %dma_wait3A = arith.constant 0 : i32
      %dma_wait3A_78 = tpu.memref_slice %arg7[%run_scoped3A_66, %dma_wait3A] : memref<16x32xf32, #tpu.memory_space<vmem>> -> memref<1x32xf32, #tpu.memory_space<vmem>>
      %dma_wait3A_79 = tpu.memref_squeeze %dma_wait3A_78 : memref<1x32xf32, #tpu.memory_space<vmem>> -> memref<32xf32, #tpu.memory_space<vmem>>
      %dma_wait3A_80 = tpu.memref_slice %arg4[%add3A_65] : memref<16384xf32, #tpu.memory_space<hbm>> -> memref<32xf32, #tpu.memory_space<hbm>>
      %dma_wait3A_81 = tpu.memref_slice %arg4[%add3A_65] : memref<16384xf32, #tpu.memory_space<hbm>> -> memref<32xf32, #tpu.memory_space<hbm>>
      %dma_wait3A_82 = arith.constant 0 : i32
      %dma_wait3A_83 = tpu.memref_slice %arg7[%run_scoped3A_66, %dma_wait3A_82] : memref<16x32xf32, #tpu.memory_space<vmem>> -> memref<1x32xf32, #tpu.memory_space<vmem>>
      %dma_wait3A_84 = tpu.memref_squeeze %dma_wait3A_83 : memref<1x32xf32, #tpu.memory_space<vmem>> -> memref<32xf32, #tpu.memory_space<vmem>>
      tpu.wait_dma2 semaphore(%run_scoped3A_70 : memref<!tpu.dma_semaphore, #tpu.memory_space<semaphore_mem>>) src(%dma_wait3A_84 : memref<32xf32, #tpu.memory_space<vmem>>) dst(%dma_wait3A_81 : memref<32xf32, #tpu.memory_space<hbm>>)
      tpu.yield
    }) : () -> ()
    %add3A_67 = arith.constant 15360 : i32
    %add3A_68 = arith.addi %add3A_67, %mul3A_2 : i32
    %run_scoped3A_69 = arith.constant 15 : i32
    "tpu.region"() ({
      %run_scoped3A_70 = tpu.sem_alloc : memref<!tpu.dma_semaphore, #tpu.memory_space<semaphore_mem>>
      %dma_start3A = arith.constant 0 : i32
      %dma_start3A_71 = tpu.memref_slice %arg7[%run_scoped3A_69, %dma_start3A] : memref<16x32xf32, #tpu.memory_space<vmem>> -> memref<1x32xf32, #tpu.memory_space<vmem>>
      %dma_start3A_72 = tpu.memref_squeeze %dma_start3A_71 : memref<1x32xf32, #tpu.memory_space<vmem>> -> memref<32xf32, #tpu.memory_space<vmem>>
      %dma_start3A_73 = tpu.memref_slice %arg4[%add3A_68] : memref<16384xf32, #tpu.memory_space<hbm>> -> memref<32xf32, #tpu.memory_space<hbm>>
      %dma_start3A_74 = tpu.memref_slice %arg4[%add3A_68] : memref<16384xf32, #tpu.memory_space<hbm>> -> memref<32xf32, #tpu.memory_space<hbm>>
      %dma_start3A_75 = arith.constant 0 : i32
      %dma_start3A_76 = tpu.memref_slice %arg7[%run_scoped3A_69, %dma_start3A_75] : memref<16x32xf32, #tpu.memory_space<vmem>> -> memref<1x32xf32, #tpu.memory_space<vmem>>
      %dma_start3A_77 = tpu.memref_squeeze %dma_start3A_76 : memref<1x32xf32, #tpu.memory_space<vmem>> -> memref<32xf32, #tpu.memory_space<vmem>>
      tpu.enqueue_dma source(%dma_start3A_77 : memref<32xf32, #tpu.memory_space<vmem>>) target(%dma_start3A_74 : memref<32xf32, #tpu.memory_space<hbm>>) target_semaphore(%run_scoped3A_70 : memref<!tpu.dma_semaphore, #tpu.memory_space<semaphore_mem>>)
      %dma_wait3A = arith.constant 0 : i32
      %dma_wait3A_78 = tpu.memref_slice %arg7[%run_scoped3A_69, %dma_wait3A] : memref<16x32xf32, #tpu.memory_space<vmem>> -> memref<1x32xf32, #tpu.memory_space<vmem>>
      %dma_wait3A_79 = tpu.memref_squeeze %dma_wait3A_78 : memref<1x32xf32, #tpu.memory_space<vmem>> -> memref<32xf32, #tpu.memory_space<vmem>>
      %dma_wait3A_80 = tpu.memref_slice %arg4[%add3A_68] : memref<16384xf32, #tpu.memory_space<hbm>> -> memref<32xf32, #tpu.memory_space<hbm>>
      %dma_wait3A_81 = tpu.memref_slice %arg4[%add3A_68] : memref<16384xf32, #tpu.memory_space<hbm>> -> memref<32xf32, #tpu.memory_space<hbm>>
      %dma_wait3A_82 = arith.constant 0 : i32
      %dma_wait3A_83 = tpu.memref_slice %arg7[%run_scoped3A_69, %dma_wait3A_82] : memref<16x32xf32, #tpu.memory_space<vmem>> -> memref<1x32xf32, #tpu.memory_space<vmem>>
      %dma_wait3A_84 = tpu.memref_squeeze %dma_wait3A_83 : memref<1x32xf32, #tpu.memory_space<vmem>> -> memref<32xf32, #tpu.memory_space<vmem>>
      tpu.wait_dma2 semaphore(%run_scoped3A_70 : memref<!tpu.dma_semaphore, #tpu.memory_space<semaphore_mem>>) src(%dma_wait3A_84 : memref<32xf32, #tpu.memory_space<vmem>>) dst(%dma_wait3A_81 : memref<32xf32, #tpu.memory_space<hbm>>)
      tpu.yield
    }) : () -> ()
    return
  }
}

module attributes {stable_mosaic.version = 14 : i64} {
  func.func @body(%arg0: i32, %arg1: memref<16x2048xf32, #tpu.memory_space<vmem>>, %arg2: memref<2048xf32, #tpu.memory_space<vmem>>, %arg3: memref<16384xf32, #tpu.memory_space<vmem>>, %arg4: memref<2048x1024xf32, #tpu.memory_space<vmem>>) attributes {dimension_semantics = [#tpu.dimension_semantics<arbitrary>], iteration_bounds = array<i64: 49>, scalar_prefetch = 0 : i64, scratch_operands = 0 : i64, tpu.core_type = #tpu.core_type<tc>, window_params = [{transform_indices = @transform_0, window_bounds = array<i64: 16, 2048>}, {transform_indices = @transform_1, window_bounds = array<i64: 2048>}, {pipeline_mode = #tpu.pipeline_mode<synchronous>, transform_indices = @transform_2, window_bounds = array<i64: 16384>}, {transform_indices = @transform_3, window_bounds = array<i64: 2048, 1024>}]} {
    %get3A = arith.constant 0 : index
    %get3A_0 = arith.constant 0 : index
    %get3A_1 = vector.load %arg1[%get3A, %get3A_0] : memref<16x2048xf32, #tpu.memory_space<vmem>>, vector<16x2048xf32>
    %get3A_2 = arith.constant 0 : index
    %get3A_3 = vector.load %arg2[%get3A_2] : memref<2048xf32, #tpu.memory_space<vmem>>, vector<2048xf32>
    %reshape3A = vector.shape_cast %get3A_3 : vector<2048xf32> to vector<1x2048xf32>
    %concatenate3A = tpu.concatenate %get3A_1, %reshape3A in 0 : vector<16x2048xf32>, vector<1x2048xf32> -> vector<17x2048xf32>
    %get3A_4 = arith.constant 0 : index
    %get3A_5 = vector.load %arg3[%get3A_4] : memref<16384xf32, #tpu.memory_space<vmem>>, vector<1024xf32>
    %reshape3A_6 = vector.shape_cast %get3A_5 : vector<1024xf32> to vector<1x1024xf32>
    %get3A_7 = arith.constant 1024 : index
    %get3A_8 = vector.load %arg3[%get3A_7] : memref<16384xf32, #tpu.memory_space<vmem>>, vector<1024xf32>
    %reshape3A_9 = vector.shape_cast %get3A_8 : vector<1024xf32> to vector<1x1024xf32>
    %get3A_10 = arith.constant 2048 : index
    %get3A_11 = vector.load %arg3[%get3A_10] : memref<16384xf32, #tpu.memory_space<vmem>>, vector<1024xf32>
    %reshape3A_12 = vector.shape_cast %get3A_11 : vector<1024xf32> to vector<1x1024xf32>
    %get3A_13 = arith.constant 3072 : index
    %get3A_14 = vector.load %arg3[%get3A_13] : memref<16384xf32, #tpu.memory_space<vmem>>, vector<1024xf32>
    %reshape3A_15 = vector.shape_cast %get3A_14 : vector<1024xf32> to vector<1x1024xf32>
    %get3A_16 = arith.constant 4096 : index
    %get3A_17 = vector.load %arg3[%get3A_16] : memref<16384xf32, #tpu.memory_space<vmem>>, vector<1024xf32>
    %reshape3A_18 = vector.shape_cast %get3A_17 : vector<1024xf32> to vector<1x1024xf32>
    %get3A_19 = arith.constant 5120 : index
    %get3A_20 = vector.load %arg3[%get3A_19] : memref<16384xf32, #tpu.memory_space<vmem>>, vector<1024xf32>
    %reshape3A_21 = vector.shape_cast %get3A_20 : vector<1024xf32> to vector<1x1024xf32>
    %get3A_22 = arith.constant 6144 : index
    %get3A_23 = vector.load %arg3[%get3A_22] : memref<16384xf32, #tpu.memory_space<vmem>>, vector<1024xf32>
    %reshape3A_24 = vector.shape_cast %get3A_23 : vector<1024xf32> to vector<1x1024xf32>
    %get3A_25 = arith.constant 7168 : index
    %get3A_26 = vector.load %arg3[%get3A_25] : memref<16384xf32, #tpu.memory_space<vmem>>, vector<1024xf32>
    %reshape3A_27 = vector.shape_cast %get3A_26 : vector<1024xf32> to vector<1x1024xf32>
    %get3A_28 = arith.constant 8192 : index
    %get3A_29 = vector.load %arg3[%get3A_28] : memref<16384xf32, #tpu.memory_space<vmem>>, vector<1024xf32>
    %reshape3A_30 = vector.shape_cast %get3A_29 : vector<1024xf32> to vector<1x1024xf32>
    %get3A_31 = arith.constant 9216 : index
    %get3A_32 = vector.load %arg3[%get3A_31] : memref<16384xf32, #tpu.memory_space<vmem>>, vector<1024xf32>
    %reshape3A_33 = vector.shape_cast %get3A_32 : vector<1024xf32> to vector<1x1024xf32>
    %get3A_34 = arith.constant 10240 : index
    %get3A_35 = vector.load %arg3[%get3A_34] : memref<16384xf32, #tpu.memory_space<vmem>>, vector<1024xf32>
    %reshape3A_36 = vector.shape_cast %get3A_35 : vector<1024xf32> to vector<1x1024xf32>
    %get3A_37 = arith.constant 11264 : index
    %get3A_38 = vector.load %arg3[%get3A_37] : memref<16384xf32, #tpu.memory_space<vmem>>, vector<1024xf32>
    %reshape3A_39 = vector.shape_cast %get3A_38 : vector<1024xf32> to vector<1x1024xf32>
    %get3A_40 = arith.constant 12288 : index
    %get3A_41 = vector.load %arg3[%get3A_40] : memref<16384xf32, #tpu.memory_space<vmem>>, vector<1024xf32>
    %reshape3A_42 = vector.shape_cast %get3A_41 : vector<1024xf32> to vector<1x1024xf32>
    %get3A_43 = arith.constant 13312 : index
    %get3A_44 = vector.load %arg3[%get3A_43] : memref<16384xf32, #tpu.memory_space<vmem>>, vector<1024xf32>
    %reshape3A_45 = vector.shape_cast %get3A_44 : vector<1024xf32> to vector<1x1024xf32>
    %get3A_46 = arith.constant 14336 : index
    %get3A_47 = vector.load %arg3[%get3A_46] : memref<16384xf32, #tpu.memory_space<vmem>>, vector<1024xf32>
    %reshape3A_48 = vector.shape_cast %get3A_47 : vector<1024xf32> to vector<1x1024xf32>
    %get3A_49 = arith.constant 15360 : index
    %get3A_50 = vector.load %arg3[%get3A_49] : memref<16384xf32, #tpu.memory_space<vmem>>, vector<1024xf32>
    %reshape3A_51 = vector.shape_cast %get3A_50 : vector<1024xf32> to vector<1x1024xf32>
    %broadcast_in_dim3A = arith.constant 1.000000e+00 : f32
    %broadcast_in_dim3A_52 = vector.broadcast %broadcast_in_dim3A : f32 to vector<1x1024xf32>
    %concatenate3A_53 = tpu.concatenate %reshape3A_6, %reshape3A_9, %reshape3A_12, %reshape3A_15, %reshape3A_18, %reshape3A_21, %reshape3A_24, %reshape3A_27, %reshape3A_30, %reshape3A_33, %reshape3A_36, %reshape3A_39, %reshape3A_42, %reshape3A_45, %reshape3A_48, %reshape3A_51, %broadcast_in_dim3A_52 in 0 : vector<1x1024xf32>, vector<1x1024xf32>, vector<1x1024xf32>, vector<1x1024xf32>, vector<1x1024xf32>, vector<1x1024xf32>, vector<1x1024xf32>, vector<1x1024xf32>, vector<1x1024xf32>, vector<1x1024xf32>, vector<1x1024xf32>, vector<1x1024xf32>, vector<1x1024xf32>, vector<1x1024xf32>, vector<1x1024xf32>, vector<1x1024xf32>, vector<1x1024xf32> -> vector<17x1024xf32>
    %dot_general3A = arith.constant dense<0.000000e+00> : vector<2048x1024xf32>
    %dot_general3A_54 = tpu.matmul %concatenate3A, %concatenate3A_53, %dot_general3A {dimension_numbers = #tpu.dot_dimension_numbers<[0], [0], [1], [1], [0, 1, 1, 1], [], []>, transpose_lhs_hint = false} : vector<17x2048xf32>, vector<17x1024xf32>, vector<2048x1024xf32> -> vector<2048x1024xf32>
    %swap3A = arith.constant 0 : index
    %swap3A_55 = arith.constant 0 : index
    %swap3A_56 = vector.load %arg4[%swap3A, %swap3A_55] : memref<2048x1024xf32, #tpu.memory_space<vmem>>, vector<2048x1024xf32>
    tpu.vector_store %arg4[%swap3A, %swap3A_55], %dot_general3A_54 {strides = array<i32>} : memref<2048x1024xf32, #tpu.memory_space<vmem>>, vector<2048x1024xf32>,
    return
  }
  func.func @transform_0(%arg0: i32) -> (i32, i32) {
    %c0_i32 = arith.constant 0 : i32
    %c0_i32_0 = arith.constant 0 : i32
    return %c0_i32, %arg0 : i32, i32
  }
  func.func @transform_1(%arg0: i32) -> i32 {
    %c0_i32 = arith.constant 0 : i32
    return %arg0 : i32
  }
  func.func @transform_2(%arg0: i32) -> i32 {
    %c0_i32 = arith.constant 0 : i32
    %c0_i32_0 = arith.constant 0 : i32
    return %c0_i32 : i32
  }
  func.func @transform_3(%arg0: i32) -> (i32, i32) {
    %c0_i32 = arith.constant 0 : i32
    %c0_i32_0 = arith.constant 0 : i32
    return %arg0, %c0_i32 : i32, i32
  }
}

</mosaic_0001>

<sc_bundles>
// kernel: kernel.4.cloned.1.call-start
scs
__scs_entry_jumppad:
0x0: {  	(pc) =	sbr.rel $0x88, $3  }
0x1: {  	(tag) =	ssettag $0x0;
	lr =	simm.s32 $0x1  }
0x2: {  	[smem:$0x3F9D] =	sst lr;
	_ =	strace $0xD0000000  }
0x3: {  	_ = 	snop  }
0x4: {  	_ = 	snop  }
0x5: {  	_ = 	snop  }
0x6: {  	_ = 	snop  }
0x7: {  	_ = 	snop  }
__scs_overlays_trampoline_lowered:
0x8: {  	[smem:$0x3FAC] =	sst s0  }
0x9: {  	[smem:$0x3FAD] =	sst s1  }
0xa: {  	[smem:$0x3FAE] =	sst s2  }
0xb: {  	[smem:$0x3FAF] =	sst s3  }
0xc: {  	[smem:$0x3FB0] =	sst s4  }
0xd: {  	[smem:$0x3FB1] =	sst s5  }
0xe: {  	[smem:$0x3FB2] =	sst s6  }
0xf: {  	[smem:$0x3FB3] =	sst s7  }
0x10: {  	[smem:$0x3FB4] =	sst s8  }
0x11: {  	[smem:$0x3FB5] =	sst s9;
	s0 =	simm.s32 @!p0 $0x0  }
0x12: {  	s1 =	sld [smem:$0x3F9B];
	s0 =	simm.s32 @p0 $0x1  }
0x13: {  	[smem:$0x3FB6] =	sst s0;
	s0 =	simm.s32 @!p1 $0x0  }
0x14: {  	s2 =	sld [smem:$0x3F9A];
	s0 =	simm.s32 @p1 $0x1  }
0x15: {  	[smem:$0x3FB7] =	sst s0;
	s0 =	simm.s32 @!p2 $0x0  }
0x16: {  	s3 =	sld [smem:$0x3FDB];
	s0 =	simm.s32 @p2 $0x1  }
0x17: {  	s4 =	simm.s32 $0x1BF5;
	[smem:$0x3FB9] =	sst s0  }
0x18: {  	s0 =	sld [smem:$0x3F9C];
	_ =	swait.ge [sflag:s4], $0x0  }
0x19: {  	s7 =	sld [smem:$0x3F9D]  }
0x1a: {  	s8 =	sadd.s32 $0xFFFFE003, lr  }
0x1b: {  	s9 =	sadd.s32 $0xFFFFFEF7, lr;
	s5 =	simm.s32 $0xFFFFFFFF;
	p2 =	slt.u32 s8, $0xFFFFF086  }
0x1c: {  	p1 =	slt.u32 s9, $0xF7A;
	s5 =	simm.s32 @!p2 $0x0  }
0x1d: {  	s5 =	simm.s32 @p1 $0x1;
	p0 =	seq.s32 s7, s2  }
0x1e: {  	s7 =	smul.u32 @!p0 $0xF7A, s2;
	p2 =	seq.s32 @!p0 s5, $0x0  }
0x1f: {  	s9 =	smul.u32 $0xF7A, s1;
	s8 =	simm.s32 @!p0 $0x1BF5;
	p2 =	por !p2, p0  }
0x20: {  	[sflag:s8] =	ssyncset.s32 @!p0 $0xFFFFF086;
	s6 =	sadd.s32 @!p0 s3, s7;
	s7 =	simm.s32 @!p0 $0x108  }
0x21: {  	s3 =	sadd.s32 s3, s9;
	s6 =	sadd.s32 @!p0 $0x88, s6;
	s7 =	simm.s32 @p2 $0x1082  }
0x22: {  	[simem:s7], [sflag:s8] =	dma.local @!p0 [hbm:s6], $0xF7A  }
0x23: {  	s9 =	sor.u32 $0xD0000000, s2;
	s6 =	simm.s32 $0x108;
	_ =	swait.ge @!p0 [sflag:s8], $0x0  }
0x24: {  	s3 =	sadd.s32 $0x88, s3;
	s6 =	simm.s32 @!p1 $0x1082;
	[sflag:s4] =	ssyncset.s32 $0xFFFFF086  }
0x25: {  	[simem:s6], [sflag:s4] =	dma.local [hbm:s3], $0xF7A  }
0x26: {  	[smem:$0x3F9D] =	sst s1;
	(tag) =	ssettag s2;
	_ =	strace s9  }
0x27: {  	s1 =	sld [smem:$0x3FAD]  }
0x28: {  	s2 =	sld [smem:$0x3FAE]  }
0x29: {  	s4 =	sld [smem:$0x3FB0]  }
0x2a: {  	p0 =	seq.s32 s5, $0x0;
	s5 =	sld [smem:$0x3FB1]  }
0x2b: {  	s6 =	sld [smem:$0x3FB2]  }
0x2c: {  	s7 =	sld [smem:$0x3FB3]  }
0x2d: {  	s3 =	simm.s32 $0x108;
	s8 =	sld [smem:$0x3FB4]  }
0x2e: {  	s3 =	simm.s32 @!p0 $0x1082;
	s9 =	sld [smem:$0x3FB5]  }
0x2f: {  	lr =	sadd.s32 s0, s3;
	s0 =	sld [smem:$0x3FAC]  }
0x30: {  	s3 =	sld [smem:$0x3FAF]  }
0x31: {  	[smem:$0x3FB8] =	sst s10  }
0x32: {  	s10 =	sld [smem:$0x3FB6];
	_ =	sdelay $0x3  }
0x33: {  	p0 =	seq.s32 s10, $0x1;
	s10 =	sld [smem:$0x3FB8];
	_ =	sdelay $0x3  }
0x34: {  	[smem:$0x3FB8] =	sst s10  }
0x35: {  	s10 =	sld [smem:$0x3FB7];
	_ =	sdelay $0x3  }
0x36: {  	p1 =	seq.s32 s10, $0x1;
	s10 =	sld [smem:$0x3FB8];
	_ =	sdelay $0x3  }
0x37: {  	[smem:$0x3FB8] =	sst s10  }
0x38: {  	s10 =	sld [smem:$0x3FB9]  }
0x39: {  	_ = 	snop;
	(pc) =	sbr.ind lr, $3  }
0x3a: {  	_ = 	snop  }
0x3b: {  	_ = 	snop  }
0x3c: {  	p2 =	seq.s32 s10, $0x1;
	s10 =	sld [smem:$0x3FB8]  }
0x3d: {  	_ =	shalt  }
0x3e: {  	_ =	shalt  }
0x3f: {  	_ =	shalt  }
0x40: {  	_ =	shalt  }
0x41: {  	_ =	shalt  }
0x42: {  	_ =	shalt  }
0x43: {  	_ =	shalt  }
0x44: {  	_ =	shalt  }
0x45: {  	_ =	shalt  }
0x46: {  	_ =	shalt  }
0x47: {  	_ =	shalt  }
0x48: {  	_ =	shalt  }
0x49: {  	_ =	shalt  }
0x4a: {  	_ =	shalt  }
0x4b: {  	_ =	shalt  }
0x4c: {  	_ =	shalt  }
0x4d: {  	_ =	shalt  }
0x4e: {  	_ =	shalt  }
0x4f: {  	_ =	shalt  }
0x50: {  	_ =	shalt  }
0x51: {  	_ =	shalt  }
0x52: {  	_ =	shalt  }
0x53: {  	_ =	shalt  }
0x54: {  	_ =	shalt  }
0x55: {  	_ =	shalt  }
0x56: {  	_ =	shalt  }
0x57: {  	_ =	shalt  }
0x58: {  	_ =	shalt  }
0x59: {  	_ =	shalt  }
0x5a: {  	_ =	shalt  }
0x5b: {  	_ =	shalt  }
0x5c: {  	_ =	shalt  }
0x5d: {  	_ =	shalt  }
0x5e: {  	_ =	shalt  }
0x5f: {  	_ =	shalt  }
0x60: {  	_ =	shalt  }
0x61: {  	_ =	shalt  }
0x62: {  	_ =	shalt  }
0x63: {  	_ =	shalt  }
0x64: {  	_ =	shalt  }
0x65: {  	_ =	shalt  }
0x66: {  	_ =	shalt  }
0x67: {  	_ =	shalt  }
0x68: {  	_ =	shalt  }
0x69: {  	_ =	shalt  }
0x6a: {  	_ =	shalt  }
0x6b: {  	_ =	shalt  }
0x6c: {  	_ =	shalt  }
0x6d: {  	_ =	shalt  }
0x6e: {  	_ =	shalt  }
0x6f: {  	_ =	shalt  }
0x70: {  	_ =	shalt  }
0x71: {  	_ =	shalt  }
0x72: {  	_ =	shalt  }
0x73: {  	_ =	shalt  }
0x74: {  	_ =	shalt  }
0x75: {  	_ =	shalt  }
0x76: {  	_ =	shalt  }
0x77: {  	_ =	shalt  }
0x78: {  	_ =	shalt  }
0x79: {  	_ =	shalt  }
0x7a: {  	_ =	shalt  }
0x7b: {  	_ =	shalt  }
0x7c: {  	_ =	shalt  }
0x7d: {  	_ =	shalt  }
0x7e: {  	_ =	shalt  }
0x7f: {  	_ =	shalt  }
0x80: {  	_ =	shalt  }
0x81: {  	_ =	shalt  }
0x82: {  	_ =	shalt  }
0x83: {  	_ =	shalt  }
0x84: {  	_ =	shalt  }
0x85: {  	_ =	shalt  }
0x86: {  	_ =	shalt  }
0x87: {  	_ =	shalt  }
.Lfunc_end0:
.L_simem_size_0:
called_computation_lowered:
.L_overlay_start_0:
0x88: {  	s2 =	sld [smem:$0x3FD9]  }
0x89: {  	s3 =	sld [smem:$0x3FFE];
	_ =	sdelay $0x1  }
0x8a: {  	s1 =	srdreg.scid  }
0x8b: {  	s0 =	sand.u32 $0x1, s1  }
0x8c: {  	s17 =	sshll.u32 s0, $0xA;
	s2 =	sadd.s32 s3, s2  }
0x8d: {  	s2 =	sadd.s32 s2, s17  }
0x8e: {  	[smem:$0x3FC4] =	sst s2  }
0x8f: {  	_ = 	snop  }
0x90: {  	s2 =	sld [smem:$0x3FC9]  }
0x91: {  	s18 =	sld [smem:$0x3FC8];
	(tm) =	ssettm $0x1  }
0x92: {  	s4 =	sld [smem:$0x3FFB];
	_ =	sdelay $0x3  }
0x93: {  	_ =	strace s4  }
0x94: {  	s4 =	sld [smem:$0x3FFC];
	_ =	sdelay $0x3  }
0x95: {  	_ =	strace s4  }
0x96: {  	s4 =	sld [smem:$0x3FFD];
	_ =	sdelay $0x3  }
0x97: {  	_ =	strace s4  }
0x98: {  	_ =	strace $0x8FFFFFFF  }
0x99: {  	s19 =	sld [smem:$0x3FDB];
	_ =	sdelay $0x1  }
0x9a: {  	s5 =	simm.s32 $_scs_section_size  }
0x9b: {  	s6 =	simm.s32 $_size__tile_overlayer_lowered;
	s7 =	simm.s32 $_tile_overlayer_lowered  }
0x9c: {  	s22 =	simm.s32 $0x1BFF;
	s21 =	sshll.u32 s7, $0x1;
	s4 =	sadd.s32 s5, s19  }
0x9d: {  	s8 =	simm.s32 $0x0;
	s20 =	sshll.u32 s6, $0x1;
	s6 =	sadd.s32 s21, s4  }
0x9e: {  	[timem:s8], [sflag:s22] =	dma.local [hbm:s6], s20  }
0x9f: {  	_ =	swait.ge [sflag:s22], s20  }
0xa0: {  	s5 =	ssub.s32 $0x0, s20;
	[sflag:s22] =	ssyncset.done $0x0  }
0xa1: {  	[sflag:s22] =	ssyncadd.s32 s5;
	_ =	sdelay $0x1  }
0xa2: {  	s23 =	simm.s32 $0x1B8B  }
0xa3: {  	_ =	swait.ge [sflag:s23], $0x1  }
0xa4: {  	[sflag:s23] =	ssyncset.done $0x0  }
0xa5: {  	s25 =	simm.s32 $0x1B8E;
	s24 =	sld [smem:$0x3FFE];
	[sflag:s23] =	ssyncadd.s32 $0xFFFFFFFF  }
0xa6: {  	s26 =	simm.s32 $execute0_lowered;
	[smem:$0x3FD2] =	sst s25  }
0xa7: {  	s6 =	sshll.u32 s26, $0x1;
	_ =	strace $0x80000046;
	[dreg:$0x1] =	wrdreg $0xFFFFFFFF  }
0xa8: {  	s28 =	simm.s32 $_size_execute0_lowered;
	s4 =	sadd.s32 s4, s6;
	[dreg:$0x0] =	wrdreg $0x0  }
0xa9: {  	s6 =	sshll.u32 s28, $0x1;
	[dreg:$0x2] =	wrdreg s4  }
0xaa: {  	[dreg:$0x3] =	wrdreg s6  }
0xab: {  	[dreg:$0x4] =	wrdreg $0xC0  }
0xac: {  	_ =	task [dreg:s8], $0x5FFFF  }
0xad: {  	[dreg:$0x1] =	wrdreg $0xFFFFFFFF  }
0xae: {  	[dreg:$0x0] =	wrdreg $0x60  }
0xaf: {  	[dreg:$0x2] =	wrdreg s18  }
0xb0: {  	[dreg:$0x3] =	wrdreg s2  }
0xb1: {  	[dreg:$0x4] =	wrdreg s24  }
0xb2: {  	[dreg:$0x5] =	wrdreg $0x9  }
0xb3: {  	_ =	task.clear_ibuf [dreg:s8], $0x6FFFF;
	_ =	strace $0x90000046  }
0xb4: {  	s29 =	simm.s32 $0x9;
	_ =	strace $0x80000048  }
0xb5: {  	_ =	swait.ge [sflag:s29], $0x1  }
0xb6: {  	[sflag:s29] =	ssyncadd.s32 $0xFFFFFFFF  }
0xb7: {  	_ =	strace $0x90000048  }
0xb8: {  	_ =	sfence  }
0xb9: {  	s30 =	sld [smem:$0x0];
	_ =	sdelay $0x2  }
0xba: {  	s31 =	sshll.u32 s1, $0xD;
	s1 =	sshrl.u32 s1, $0x2  }
0xbb: {  	s3 =	sand.u32 $0x4000, s31;
	s1 =	sadd.s32 s1, s30  }
0xbc: {  	s0 =	sor.u32 s3, s0;
	s1 =	sshll.u32 s1, $0x11  }
0xbd: {  	s0 =	sor.u32 s1, s0  }
0xbe: {  	s0 =	sadd.s32 $0x8F2B, s0  }
0xbf: {  	[sflag:s0] =	ssyncadd.remote.s32 $0x1  }
0xc0: {  	_ =	sfence.sel $0xFFFF  }
0xc1: {  	[dreg:$0x0] =	wrdreg $0xFFFFFFFF;
	(pc) =	sbr.abs _section_cstart, $3  }
0xc2: {  	[dreg:$0x1] =	wrdreg $0xFFFFFFFF  }
0xc3: {  	_ =	task.clear_ibuf [dreg:s8], $0x2FFFF;
	_ =	strace $0x9FFFFFFF  }
0xc4: {  	(tm) =	ssettm $0x7FFFFFFF  }
0xc5: {  	_ =	shalt  }
tec
execute0_lowered:
.L_overlay_start_1:
0x0: {  	(tag) =	ssettag $0x1  }
0x1: {  	s1 =	rddreg [dreg:$0x0]  }
0x2: {  	s0 =	rddreg [dreg:$0x1]  }
0x3: {  	s2 =	rddreg [dreg:$0x2];
	s3 =	simm.s32 $0x0  }
0x4: {  	s4 =	srdreg.scid;
	s5 =	stileid.u32;
	s22 =	simm.s32 $0x2  }
0x5: {  	s23 =	simm.s32 $0x400;
	s28 =	simm.s32 $0x10080;
	s4 =	sand.u32 $0x1, s4  }
0x6: {  	s29 =	simm.s32 $0x0;
	s5 =	sshll.u32 s5, $0x3;
	s6 =	sshll.u32 s4, $0x2  }
0x7: {  	[smem:$0x7FF] =	sst s3;
	s4 =	ssub.s32 $0x2, s4;
	s5 =	sor.u32 s6, s5  }
0x8: {  	_ =	strace $0x80000047;
	s24 =	sshrl.u32 s4, $0x1;
	s2 =	sadd.s32 s5, s2  }
0x9: {  	s4 =	ssub.s32 s4, s24;
	s0 =	sadd.s32 s0, s5;
	s24 =	simm.s32 $0xC3800  }
0xa: {  	[dreg:$0x4] =	wrdreg s0;
	s25 =	sadd.s32 $0x400, s2;
	s26 =	sadd.s32 $0x480, s2  }
0xb: {  	s30 =	sadd.s32 $0x500, s2;
	s31 =	sadd.s32 $0x580, s2;
	s9 =	sadd.s32 $0x600, s2  }
0xc: {  	s10 =	sadd.s32 $0x680, s2;
	s11 =	sadd.s32 $0x700, s2;
	s12 =	sadd.s32 $0x780, s2  }
0xd: {  	s13 =	sadd.s32 $0x800, s2;
	s14 =	sadd.s32 $0x880, s2;
	s15 =	sadd.s32 $0x900, s2  }
0xe: {  	s16 =	sadd.s32 $0x980, s2;
	s17 =	sadd.s32 $0xA00, s2;
	[dreg:$0x5] =	wrdreg s25  }
0xf: {  	s18 =	sadd.s32 $0xA80, s2;
	s19 =	sadd.s32 $0xB00, s2;
	[dreg:$0x6] =	wrdreg s26  }
0x10: {  	v0 =	vlaneseq.u32;
	s20 =	sadd.s32 $0xB80, s2;
	s21 =	smax.u32 s4, $0x1;
	[dreg:$0x7] =	wrdreg s30  }
0x11: {  	v1 =	vmul.u32 $0x80, v0;
	[dreg:$0x8] =	wrdreg s31;
	s25 =	simm.s32 $0x1;
	s26 =	simm.s32 $0x80  }
.LBB2_1:
0x12: {  	s0 =	rddreg [dreg:$0x4]  }
0x13: {  	[tilespmem:s3], [sflag:$0x2] =	stream.linear.gather [hbm4b:s0+s3], $0x20, $0x38;
	[tilespmem:$0x10880] =	vst v63  }
0x14: {  	_ =	swait.ge [sflag:s22], $0x20  }
0x15: {  	[sflag:s22] =	ssyncset.done $0x0  }
0x16: {  	[sflag:s22] =	ssyncadd.s32 $0xFFFFFFE0  }
0x17: {  	v2 =	vld [tilespmem:$0x0]  }
0x18: {  	v3 =	vld [tilespmem:$0x10];
	_ =	sdelay $0x2  }
0x19: {  	s2 =	sand.u32 $0xF, s3  }
0x1a: {  	p0 =	por $0x0, $0x0;
	v4 =	vmov s2  }
0x1b: {  	vm0 =	veq.s32 v4, v0;
	v4 =	vpsel p0, v3, v2  }
0x1c: {  	v4 =	vnsel vm0, $0x0, v4  }
0x1d: {  	(xrf0) =	vadd.scan.msk.s32 $0xffff, v4;
	_ =	sdelay $0x5  }
0x1e: {  	v4, _, _ =	vpop (xrf0)  }
0x1f: {  	(v2sf) =	vpush v4, $0xF  }
0x20: {  	s4 =	simm.s32 $0x1  }
0x21: {  	s0 =	sand.u32 $0xF, s4  }
0x22: {  	p3 =	por $0x0, $0x0;
	s2 =	simm.s32 $0x2;
	v4 =	vmov s0  }
0x23: {  	s6 =	simm.s32 $0x3;
	s5 =	sand.u32 $0xF, s2;
	vm12 =	veq.s32 v4, v0;
	v4 =	vpsel p3, v3, v2  }
0x24: {  	p4 =	por $0x0, $0x0;
	s7 =	sand.u32 $0xF, s6;
	v5 =	vmov s5;
	v4 =	vnsel vm12, $0x0, v4  }
0x25: {  	p5 =	por $0x0, $0x0;
	v6 =	vmov s7;
	vm13 =	veq.s32 v5, v0;
	v5 =	vpsel p4, v3, v2;
	(xrf0) =	vadd.scan.msk.s32 $0xffff, v4  }
0x26: {  	vm14 =	veq.s32 v6, v0;
	v4 =	vnsel vm13, $0x0, v5;
	v5 =	vpsel p5, v3, v2  }
0x27: {  	(xrf0) =	vadd.scan.msk.s32 $0xffff, v4;
	v4 =	vnsel vm14, $0x0, v5  }
0x28: {  	s8 =	simm.s32 $0x4;
	(xrf0) =	vadd.scan.msk.s32 $0xffff, v4  }
0x29: {  	s0 =	sand.u32 $0xF, s8  }
0x2a: {  	p6 =	por $0x0, $0x0;
	v5 =	vmov s0  }
0x2b: {  	vm15 =	veq.s32 v5, v0;
	v5 =	vpsel p6, v3, v2;
	v4, _, _ =	vpop (xrf0)  }
0x2c: {  	(v2sf) =	vpush v4, $0xF  }
0x2d: {  	v4, _, _ =	vpop (xrf0)  }
0x2e: {  	s30 =	spop (v2sf);
	(v2sf) =	vpush v4, $0xF;
	v4 =	vnsel vm15, $0x0, v5;
	v5, _, _ =	vpop (xrf0)  }
0x2f: {  	(v2sf) =	vpush v5, $0xF;
	_ =	sdelay $0x5  }
0x30: {  	s2 =	sand.u32 $0xFFFFF80, s30  }
0x31: {  	s0 =	simm.s32 $0x80;
	(xrf0) =	vadd.scan.msk.s32 $0xffff, v4;
	s31 =	sadd.s32 s1, s2;
	s2 =	simm.s32 $0x5  }
0x32: {  	[tilespmem:s26], [sflag:$0x1] =	stream.strided.gather [hbm4b:s31+s23], $0x800, s24, s23, $0x38;
	[tilespmem:$0x10880] =	vst v63  }
.LBB2_2:
0x33: {  	s4 =	sand.u32 $0xF, s2  }
0x34: {  	p0 =	sne.s32 s2, $0x1F;
	s5 =	smov.u32 s2;
	s2 =	sadd.s32 $0x1, s2  }
.Ltmp0:
0x35: {  	v4 =	vmov s4;
	p1 =	sgt.u32 s5, $0xF;
	(pc) =	sbr.rel @p0 .LBB2_2-.Ltmp0, $4  }
0x36: {  	vm0 =	veq.s32 v4, v0;
	v6 =	vpsel p1, v3, v2;
	s4 =	spop (v2sf)  }
0x37: {  	v5 =	vnsel vm0, $0x0, v6;
	s4 =	sand.u32 $0xFFFFF80, s4  }
0x38: {  	s0 =	sadd.s32 $0x800, s0;
	(xrf0) =	vadd.scan.msk.s32 $0xffff, v5;
	v4, _, _ =	vpop (xrf0);
	s4 =	sadd.s32 s1, s4  }
0x39: {  	(v2sf) =	vpush v4, $0xF;
	[tilespmem:s0], [sflag:$0x1] =	stream.strided.gather [hbm4b:s4+s23], $0x800, s24, s23, $0x38;
	[tilespmem:$0x10880] =	vst v63  }
0x3a: {  	_ =	sdelay $0x3  }
0x3b: {  	v4, _, _ =	vpop (xrf0)  }
0x3c: {  	(v2sf) =	vpush v4, $0xF;
	_ =	sdelay $0x3  }
0x3d: {  	s2 =	spop (v2sf)  }
0x3e: {  	s2 =	sand.u32 $0xFFFFF80, s2  }
0x3f: {  	s0 =	sadd.s32 $0x800, s0;
	s6 =	spop (v2sf);
	s2 =	sadd.s32 s1, s2  }
0x40: {  	[tilespmem:s0], [sflag:$0x1] =	stream.strided.gather [hbm4b:s2+s23], $0x800, s24, s23, $0x38;
	[tilespmem:$0x10880] =	vst v63  }
0x41: {  	s2 =	sand.u32 $0xFFFFF80, s6  }
0x42: {  	s0 =	sadd.s32 $0x800, s0;
	s2 =	sadd.s32 s1, s2  }
0x43: {  	[tilespmem:s0], [sflag:$0x1] =	stream.strided.gather [hbm4b:s2+s23], $0x800, s24, s23, $0x38;
	[tilespmem:$0x10880] =	vst v63  }
0x44: {  	s7 =	spop (v2sf)  }
0x45: {  	s2 =	sand.u32 $0xFFFFF80, s7  }
0x46: {  	s0 =	sadd.s32 $0x800, s0;
	s2 =	sadd.s32 s1, s2  }
0x47: {  	[tilespmem:s0], [sflag:$0x1] =	stream.strided.gather [hbm4b:s2+s23], $0x800, s24, s23, $0x38;
	[tilespmem:$0x10880] =	vst v63  }
0x48: {  	s8 =	spop (v2sf)  }
0x49: {  	s2 =	sand.u32 $0xFFFFF80, s8  }
0x4a: {  	s0 =	sadd.s32 $0x800, s0;
	s2 =	sadd.s32 s1, s2  }
0x4b: {  	[tilespmem:s0], [sflag:$0x1] =	stream.strided.gather [hbm4b:s2+s23], $0x800, s24, s23, $0x38;
	[tilespmem:$0x10880] =	vst v63  }
0x4c: {  	_ =	swait.ge [sflag:s25], $0x800  }
0x4d: {  	[sflag:s25] =	ssyncset.done $0x0  }
0x4e: {  	[sflag:s25] =	ssyncadd.s32 $0xFFFFF800  }
0x4f: {  	_ =	swait.ge [sflag:s25], $0x800  }
0x50: {  	[sflag:s25] =	ssyncset.done $0x0  }
0x51: {  	[sflag:s25] =	ssyncadd.s32 $0xFFFFF800  }
0x52: {  	_ =	swait.ge [sflag:s25], $0x800  }
0x53: {  	[sflag:s25] =	ssyncset.done $0x0  }
0x54: {  	[sflag:s25] =	ssyncadd.s32 $0xFFFFF800  }
0x55: {  	_ =	swait.ge [sflag:s25], $0x800  }
0x56: {  	[sflag:s25] =	ssyncset.done $0x0  }
0x57: {  	[sflag:s25] =	ssyncadd.s32 $0xFFFFF800  }
0x58: {  	_ =	swait.ge [sflag:s25], $0x800  }
0x59: {  	[sflag:s25] =	ssyncset.done $0x0  }
0x5a: {  	[sflag:s25] =	ssyncadd.s32 $0xFFFFF800  }
0x5b: {  	_ =	swait.ge [sflag:s25], $0x800  }
0x5c: {  	[sflag:s25] =	ssyncset.done $0x0  }
0x5d: {  	[sflag:s25] =	ssyncadd.s32 $0xFFFFF800  }
0x5e: {  	_ =	swait.ge [sflag:s25], $0x800  }
0x5f: {  	[sflag:s25] =	ssyncset.done $0x0  }
0x60: {  	[sflag:s25] =	ssyncadd.s32 $0xFFFFF800  }
0x61: {  	_ =	swait.ge [sflag:s25], $0x800  }
0x62: {  	[sflag:s25] =	ssyncset.done $0x0  }
0x63: {  	[sflag:s25] =	ssyncadd.s32 $0xFFFFF800  }
0x64: {  	_ =	swait.ge [sflag:s25], $0x800  }
0x65: {  	[sflag:s25] =	ssyncset.done $0x0  }
0x66: {  	[sflag:s25] =	ssyncadd.s32 $0xFFFFF800  }
0x67: {  	_ =	swait.ge [sflag:s25], $0x800  }
0x68: {  	[sflag:s25] =	ssyncset.done $0x0  }
0x69: {  	[sflag:s25] =	ssyncadd.s32 $0xFFFFF800  }
0x6a: {  	_ =	swait.ge [sflag:s25], $0x800  }
0x6b: {  	[sflag:s25] =	ssyncset.done $0x0  }
0x6c: {  	[sflag:s25] =	ssyncadd.s32 $0xFFFFF800  }
0x6d: {  	_ =	swait.ge [sflag:s25], $0x800  }
0x6e: {  	[sflag:s25] =	ssyncset.done $0x0  }
0x6f: {  	[sflag:s25] =	ssyncadd.s32 $0xFFFFF800  }
0x70: {  	_ =	swait.ge [sflag:s25], $0x800  }
0x71: {  	[sflag:s25] =	ssyncset.done $0x0  }
0x72: {  	[sflag:s25] =	ssyncadd.s32 $0xFFFFF800  }
0x73: {  	_ =	swait.ge [sflag:s25], $0x800  }
0x74: {  	[sflag:s25] =	ssyncset.done $0x0  }
0x75: {  	[sflag:s25] =	ssyncadd.s32 $0xFFFFF800  }
0x76: {  	_ =	swait.ge [sflag:s25], $0x800  }
0x77: {  	[sflag:s25] =	ssyncset.done $0x0  }
0x78: {  	[sflag:s25] =	ssyncadd.s32 $0xFFFFF800  }
0x79: {  	_ =	swait.ge [sflag:s25], $0x800  }
0x7a: {  	[sflag:s25] =	ssyncset.done $0x0  }
0x7b: {  	[sflag:s25] =	ssyncadd.s32 $0xFFFFF800  }
0x7c: {  	_ =	swait.ge [sflag:s25], $0x800  }
0x7d: {  	[sflag:s25] =	ssyncset.done $0x0  }
0x7e: {  	[sflag:s25] =	ssyncadd.s32 $0xFFFFF800  }
0x7f: {  	_ =	swait.ge [sflag:s25], $0x800  }
0x80: {  	[sflag:s25] =	ssyncset.done $0x0  }
0x81: {  	[sflag:s25] =	ssyncadd.s32 $0xFFFFF800  }
0x82: {  	_ =	swait.ge [sflag:s25], $0x800  }
0x83: {  	[sflag:s25] =	ssyncset.done $0x0  }
0x84: {  	[sflag:s25] =	ssyncadd.s32 $0xFFFFF800  }
0x85: {  	_ =	swait.ge [sflag:s25], $0x800  }
0x86: {  	[sflag:s25] =	ssyncset.done $0x0  }
0x87: {  	[sflag:s25] =	ssyncadd.s32 $0xFFFFF800  }
0x88: {  	_ =	swait.ge [sflag:s25], $0x800  }
0x89: {  	[sflag:s25] =	ssyncset.done $0x0  }
0x8a: {  	[sflag:s25] =	ssyncadd.s32 $0xFFFFF800  }
0x8b: {  	_ =	swait.ge [sflag:s25], $0x800  }
0x8c: {  	[sflag:s25] =	ssyncset.done $0x0  }
0x8d: {  	[sflag:s25] =	ssyncadd.s32 $0xFFFFF800  }
0x8e: {  	_ =	swait.ge [sflag:s25], $0x800  }
0x8f: {  	[sflag:s25] =	ssyncset.done $0x0  }
0x90: {  	[sflag:s25] =	ssyncadd.s32 $0xFFFFF800  }
0x91: {  	_ =	swait.ge [sflag:s25], $0x800  }
0x92: {  	[sflag:s25] =	ssyncset.done $0x0  }
0x93: {  	[sflag:s25] =	ssyncadd.s32 $0xFFFFF800  }
0x94: {  	_ =	swait.ge [sflag:s25], $0x800  }
0x95: {  	[sflag:s25] =	ssyncset.done $0x0  }
0x96: {  	[sflag:s25] =	ssyncadd.s32 $0xFFFFF800  }
0x97: {  	_ =	swait.ge [sflag:s25], $0x800  }
0x98: {  	[sflag:s25] =	ssyncset.done $0x0  }
0x99: {  	[sflag:s25] =	ssyncadd.s32 $0xFFFFF800  }
0x9a: {  	_ =	swait.ge [sflag:s25], $0x800  }
0x9b: {  	[sflag:s25] =	ssyncset.done $0x0  }
0x9c: {  	[sflag:s25] =	ssyncadd.s32 $0xFFFFF800  }
0x9d: {  	_ =	swait.ge [sflag:s25], $0x800  }
0x9e: {  	[sflag:s25] =	ssyncset.done $0x0  }
0x9f: {  	[sflag:s25] =	ssyncadd.s32 $0xFFFFF800  }
0xa0: {  	_ =	swait.ge [sflag:s25], $0x800  }
0xa1: {  	[sflag:s25] =	ssyncset.done $0x0  }
0xa2: {  	[sflag:s25] =	ssyncadd.s32 $0xFFFFF800  }
0xa3: {  	_ =	swait.ge [sflag:s25], $0x800  }
0xa4: {  	[sflag:s25] =	ssyncset.done $0x0  }
0xa5: {  	s0 =	simm.s32 $0x0;
	[sflag:s25] =	ssyncadd.s32 $0xFFFFF800  }
0xa6: {  	s4 =	sand.u32 $0xF, s0;
	_ =	swait.ge [sflag:s25], $0x800  }
0xa7: {  	p0 =	por $0x0, $0x0;
	v4 =	vmov s4;
	[sflag:s25] =	ssyncset.done $0x0  }
0xa8: {  	s30 =	simm.s32 $0x1;
	v5 =	vpsel p0, v3, v2;
	vm0 =	veq.s32 v4, v0;
	[sflag:s25] =	ssyncadd.s32 $0xFFFFF800  }
0xa9: {  	s5 =	sand.u32 $0xF, s30;
	v4 =	vnsel vm0, $0x0, v5;
	_ =	swait.ge [sflag:s25], $0x800  }
0xaa: {  	p3 =	por $0x0, $0x0;
	(xrf0) =	vadd.scan.msk.s32 $0xffff, v4;
	v4 =	vmov s5  }
0xab: {  	v5 =	vpsel p3, v3, v2;
	vm12 =	veq.s32 v4, v0  }
0xac: {  	v4 =	vnsel vm12, $0x0, v5  }
0xad: {  	(xrf0) =	vadd.scan.msk.s32 $0xffff, v4;
	_ =	sdelay $0x3  }
0xae: {  	v4, _, _ =	vpop (xrf0)  }
0xaf: {  	(v2sf) =	vpush v4, $0xF  }
0xb0: {  	v4, _, _ =	vpop (xrf0)  }
0xb1: {  	(v2sf) =	vpush v4, $0xF  }
0xb2: {  	s4 =	simm.s32 $0x2  }
0xb3: {  	s6 =	sand.u32 $0xF, s4  }
0xb4: {  	s31 =	simm.s32 $0x3;
	p4 =	por $0x0, $0x0;
	v4 =	vmov s6  }
0xb5: {  	s7 =	sand.u32 $0xF, s31;
	v5 =	vpsel p4, v3, v2;
	vm13 =	veq.s32 v4, v0  }
0xb6: {  	p5 =	por $0x0, $0x0;
	v4 =	vmov s7;
	v5 =	vnsel vm13, $0x0, v5  }
0xb7: {  	v6 =	vpsel p5, v3, v2;
	vm14 =	veq.s32 v4, v0;
	(xrf0) =	vadd.scan.msk.s32 $0xffff, v5  }
0xb8: {  	v4 =	vnsel vm14, $0x0, v6  }
0xb9: {  	(xrf0) =	vadd.scan.msk.s32 $0xffff, v4;
	_ =	sdelay $0x1  }
0xba: {  	p6 =	por $0x0, $0x0;
	s2 =	simm.s32 $0x4  }
0xbb: {  	v7 =	vpsel p6, v3, v2;
	s6 =	sand.u32 $0xF, s2  }
0xbc: {  	v5 =	vmov s6;
	v6, _, _ =	vpop (xrf0)  }
0xbd: {  	vm15 =	veq.s32 v5, v0;
	s5 =	spop (v2sf);
	(v2sf) =	vpush v6, $0xF  }
0xbe: {  	v4 =	vmov s0;
	v6 =	vnsel vm15, $0x0, v7;
	v7, _, _ =	vpop (xrf0)  }
0xbf: {  	v4 =	vshll.u32 v4, $0xB;
	s5 =	sand.u32 $0x7F, s5;
	s8 =	spop (v2sf);
	(v2sf) =	vpush v7, $0xF  }
0xc0: {  	v4 =	vor.u32 s5, v4  }
0xc1: {  	v4 =	vbroadcast v4, $0x0;
	_ =	sdelay $0x1  }
0xc2: {  	v4 =	vor.u32 v1, v4  }
0xc3: {  	(xrf0) =	vadd.scan.msk.s32 $0xffff, v6  }
0xc4: {  	v5 =	vmov s30  }
0xc5: {  	[sflag:s25] =	ssyncset.done $0x0;
	v5 =	vshll.u32 v5, $0xB;
	s5 =	simm.s32 $0x5;
	s8 =	sand.u32 $0x7F, s8  }
0xc6: {  	[sflag:s25] =	ssyncadd.s32 $0xFFFFF800;
	s6 =	simm.s32 $0x6;
	s7 =	sand.u32 $0xF, s5;
	v5 =	vor.u32 s8, v5  }
.LBB2_4:
0xc7: {  	p0 =	sne.s32 s6, $0x1F;
	p1 =	sgt.u32 s5, $0xF;
	v6 =	vmov s7;
	v5 =	vbroadcast v5, $0x0;
	v7 =	vld.idx.msk [tilespmem:v4+s26+$0x0], $0xffff  }
0xc8: {  	v4 =	vpsel p1, v3, v2;
	vm0 =	veq.s32 v6, v0;
	v6 =	vor.u32 s0, v1;
	s0 =	smov.u32 s30;
	s30 =	smov.u32 s4;
	s4 =	smov.u32 s31  }
.Ltmp1:
0xc9: {  	s31 =	smov.u32 s2;
	s2 =	smov.u32 s5;
	v8 =	vnsel vm0, $0x0, v4;
	v9, _, _ =	vpop (xrf0);
	v4 =	vor.u32 v1, v5;
	(pc) =	sbr.rel @p0 .LBB2_4-.Ltmp1, $4  }
0xca: {  	s5 =	smov.u32 s6;
	(xrf0) =	vadd.scan.msk.s32 $0xffff, v8;
	(v2sf) =	vpush v9, $0xF  }
0xcb: {  	v5 =	vmov s30;
	s7 =	spop (v2sf)  }
0xcc: {  	v5 =	vshll.u32 v5, $0xB;
	s8 =	sand.u32 $0x7F, s7  }
0xcd: {  	s6 =	sadd.s32 $0x1, s6;
	s7 =	sand.u32 $0xF, s5;
	v5 =	vor.u32 s8, v5;
	[tilespmem:v6+s28+$0x0] =	vst.idx.msk $0xffff, v7  }
0xce: {  	v6 =	vmov s7;
	p0 =	sgt.u32 s5, $0xF  }
0xcf: {  	v2 =	vpsel p0, v3, v2;
	vm0 =	veq.s32 v6, v0  }
0xd0: {  	v2 =	vnsel vm0, $0x0, v2  }
0xd1: {  	v3, _, _ =	vpop (xrf0);
	(xrf0) =	vadd.scan.msk.s32 $0xffff, v2  }
0xd2: {  	v2 =	vbroadcast v5, $0x0;
	(v2sf) =	vpush v3, $0xF  }
0xd3: {  	v54 =	vor.u32 s0, v1;
	v3 =	vld.idx.msk [tilespmem:v4+s26+$0x0], $0xffff  }
0xd4: {  	v2 =	vor.u32 v1, v2  }
0xd5: {  	v55 =	vmov s4;
	s8 =	spop (v2sf)  }
0xd6: {  	s0 =	sand.u32 $0x7F, s8;
	v5 =	vshll.u32 v55, $0xB  }
0xd7: {  	v5 =	vor.u32 s0, v5;
	v56, _, _ =	vpop (xrf0)  }
0xd8: {  	[tilespmem:v54+s28+$0x0] =	vst.idx.msk $0xffff, v3;
	v3 =	vbroadcast v5, $0x0;
	(v2sf) =	vpush v56, $0xF  }
0xd9: {  	v57 =	vor.u32 s30, v1;
	v2 =	vld.idx.msk [tilespmem:v2+s26+$0x0], $0xffff  }
0xda: {  	v3 =	vor.u32 v1, v3  }
0xdb: {  	v58 =	vmov s31;
	s30 =	spop (v2sf)  }
0xdc: {  	v5 =	vshll.u32 v58, $0xB;
	s0 =	sand.u32 $0x7F, s30  }
0xdd: {  	v5 =	vor.u32 s0, v5  }
0xde: {  	[tilespmem:v57+s28+$0x0] =	vst.idx.msk $0xffff, v2;
	v2 =	vbroadcast v5, $0x0  }
0xdf: {  	v59 =	vor.u32 s4, v1;
	v3 =	vld.idx.msk [tilespmem:v3+s26+$0x0], $0xffff  }
0xe0: {  	v2 =	vor.u32 v1, v2  }
0xe1: {  	v60 =	vmov s2;
	s6 =	spop (v2sf)  }
0xe2: {  	v5 =	vshll.u32 v60, $0xB;
	s0 =	sand.u32 $0x7F, s6  }
0xe3: {  	v5 =	vor.u32 s0, v5  }
0xe4: {  	[tilespmem:v59+s28+$0x0] =	vst.idx.msk $0xffff, v3;
	v3 =	vbroadcast v5, $0x0  }
0xe5: {  	v61 =	vor.u32 s31, v1;
	v2 =	vld.idx.msk [tilespmem:v2+s26+$0x0], $0xffff  }
0xe6: {  	v3 =	vor.u32 v1, v3  }
0xe7: {  	v62 =	vmov s5;
	s7 =	spop (v2sf)  }
0xe8: {  	v5 =	vshll.u32 v62, $0xB;
	s0 =	sand.u32 $0x7F, s7  }
0xe9: {  	v5 =	vor.u32 s0, v5  }
0xea: {  	[tilespmem:v61+s28+$0x0] =	vst.idx.msk $0xffff, v2;
	v2 =	vbroadcast v5, $0x0  }
0xeb: {  	v63 =	vor.u32 s2, v1;
	v3 =	vld.idx.msk [tilespmem:v3+s26+$0x0], $0xffff  }
0xec: {  	v2 =	vor.u32 v1, v2;
	_ =	sdelay $0x3  }
0xed: {  	[tilespmem:v63+s28+$0x0] =	vst.idx.msk $0xffff, v3  }
0xee: {  	v3 =	vor.u32 s5, v1;
	v2 =	vld.idx.msk [tilespmem:v2+s26+$0x0], $0xffff;
	_ =	sdelay $0x4  }
0xef: {  	s8 =	rddreg [dreg:$0x5];
	[tilespmem:v3+s28+$0x0] =	vst.idx.msk $0xffff, v2  }
0xf0: {  	[hbm4b:s8+s3] =	stream.linear.scatter [tilespmem:s28], [sflag:$0x2], $0x20, $0x38;
	[tilespmem:$0x10880] =	vst v63  }
0xf1: {  	_ =	swait.ge [sflag:s22], $0x20  }
0xf2: {  	[sflag:s22] =	ssyncset.done $0x0  }
0xf3: {  	s31 =	simm.s32 $0x10100;
	s30 =	rddreg [dreg:$0x6];
	[sflag:s22] =	ssyncadd.s32 $0xFFFFFFE0  }
0xf4: {  	[hbm4b:s30+s3] =	stream.linear.scatter [tilespmem:s31], [sflag:$0x2], $0x20, $0x38;
	[tilespmem:$0x10880] =	vst v63  }
0xf5: {  	_ =	swait.ge [sflag:s22], $0x20  }
0xf6: {  	[sflag:s22] =	ssyncset.done $0x0  }
0xf7: {  	s4 =	simm.s32 $0x10180;
	s2 =	rddreg [dreg:$0x7];
	[sflag:s22] =	ssyncadd.s32 $0xFFFFFFE0  }
0xf8: {  	[hbm4b:s2+s3] =	stream.linear.scatter [tilespmem:s4], [sflag:$0x2], $0x20, $0x38;
	[tilespmem:$0x10880] =	vst v63  }
0xf9: {  	_ =	swait.ge [sflag:s22], $0x20  }
0xfa: {  	[sflag:s22] =	ssyncset.done $0x0  }
0xfb: {  	s6 =	simm.s32 $0x10200;
	s5 =	rddreg [dreg:$0x8];
	[sflag:s22] =	ssyncadd.s32 $0xFFFFFFE0  }
0xfc: {  	[hbm4b:s5+s3] =	stream.linear.scatter [tilespmem:s6], [sflag:$0x2], $0x20, $0x38;
	[tilespmem:$0x10880] =	vst v63  }
0xfd: {  	_ =	swait.ge [sflag:s22], $0x20  }
0xfe: {  	[sflag:s22] =	ssyncset.done $0x0  }
0xff: {  	s7 =	simm.s32 $0x10280;
	[sflag:s22] =	ssyncadd.s32 $0xFFFFFFE0  }
0x100: {  	[hbm4b:s9+s3] =	stream.linear.scatter [tilespmem:s7], [sflag:$0x2], $0x20, $0x38;
	[tilespmem:$0x10880] =	vst v63  }
0x101: {  	_ =	swait.ge [sflag:s22], $0x20  }
0x102: {  	[sflag:s22] =	ssyncset.done $0x0  }
0x103: {  	s8 =	simm.s32 $0x10300;
	[sflag:s22] =	ssyncadd.s32 $0xFFFFFFE0  }
0x104: {  	[hbm4b:s10+s3] =	stream.linear.scatter [tilespmem:s8], [sflag:$0x2], $0x20, $0x38;
	[tilespmem:$0x10880] =	vst v63  }
0x105: {  	_ =	swait.ge [sflag:s22], $0x20  }
0x106: {  	[sflag:s22] =	ssyncset.done $0x0  }
0x107: {  	s30 =	simm.s32 $0x10380;
	[sflag:s22] =	ssyncadd.s32 $0xFFFFFFE0  }
0x108: {  	[hbm4b:s11+s3] =	stream.linear.scatter [tilespmem:s30], [sflag:$0x2], $0x20, $0x38;
	[tilespmem:$0x10880] =	vst v63  }
0x109: {  	_ =	swait.ge [sflag:s22], $0x20  }
0x10a: {  	[sflag:s22] =	ssyncset.done $0x0  }
0x10b: {  	s31 =	simm.s32 $0x10400;
	[sflag:s22] =	ssyncadd.s32 $0xFFFFFFE0  }
0x10c: {  	[hbm4b:s12+s3] =	stream.linear.scatter [tilespmem:s31], [sflag:$0x2], $0x20, $0x38;
	[tilespmem:$0x10880] =	vst v63  }
0x10d: {  	_ =	swait.ge [sflag:s22], $0x20  }
0x10e: {  	[sflag:s22] =	ssyncset.done $0x0  }
0x10f: {  	s2 =	simm.s32 $0x10480;
	[sflag:s22] =	ssyncadd.s32 $0xFFFFFFE0  }
0x110: {  	[hbm4b:s13+s3] =	stream.linear.scatter [tilespmem:s2], [sflag:$0x2], $0x20, $0x38;
	[tilespmem:$0x10880] =	vst v63  }
0x111: {  	_ =	swait.ge [sflag:s22], $0x20  }
0x112: {  	[sflag:s22] =	ssyncset.done $0x0  }
0x113: {  	s4 =	simm.s32 $0x10500;
	[sflag:s22] =	ssyncadd.s32 $0xFFFFFFE0  }
0x114: {  	[hbm4b:s14+s3] =	stream.linear.scatter [tilespmem:s4], [sflag:$0x2], $0x20, $0x38;
	[tilespmem:$0x10880] =	vst v63  }
0x115: {  	_ =	swait.ge [sflag:s22], $0x20  }
0x116: {  	[sflag:s22] =	ssyncset.done $0x0  }
0x117: {  	s5 =	simm.s32 $0x10580;
	[sflag:s22] =	ssyncadd.s32 $0xFFFFFFE0  }
0x118: {  	[hbm4b:s15+s3] =	stream.linear.scatter [tilespmem:s5], [sflag:$0x2], $0x20, $0x38;
	[tilespmem:$0x10880] =	vst v63  }
0x119: {  	_ =	swait.ge [sflag:s22], $0x20  }
0x11a: {  	[sflag:s22] =	ssyncset.done $0x0  }
0x11b: {  	s6 =	simm.s32 $0x10600;
	[sflag:s22] =	ssyncadd.s32 $0xFFFFFFE0  }
0x11c: {  	[hbm4b:s16+s3] =	stream.linear.scatter [tilespmem:s6], [sflag:$0x2], $0x20, $0x38;
	[tilespmem:$0x10880] =	vst v63  }
0x11d: {  	_ =	swait.ge [sflag:s22], $0x20  }
0x11e: {  	[sflag:s22] =	ssyncset.done $0x0  }
0x11f: {  	s7 =	simm.s32 $0x10680;
	[sflag:s22] =	ssyncadd.s32 $0xFFFFFFE0  }
0x120: {  	[hbm4b:s17+s3] =	stream.linear.scatter [tilespmem:s7], [sflag:$0x2], $0x20, $0x38;
	[tilespmem:$0x10880] =	vst v63  }
0x121: {  	_ =	swait.ge [sflag:s22], $0x20  }
0x122: {  	[sflag:s22] =	ssyncset.done $0x0  }
0x123: {  	s8 =	simm.s32 $0x10700;
	[sflag:s22] =	ssyncadd.s32 $0xFFFFFFE0  }
0x124: {  	[hbm4b:s18+s3] =	stream.linear.scatter [tilespmem:s8], [sflag:$0x2], $0x20, $0x38;
	[tilespmem:$0x10880] =	vst v63  }
0x125: {  	_ =	swait.ge [sflag:s22], $0x20  }
0x126: {  	[sflag:s22] =	ssyncset.done $0x0  }
0x127: {  	s30 =	simm.s32 $0x10780;
	[sflag:s22] =	ssyncadd.s32 $0xFFFFFFE0  }
0x128: {  	[hbm4b:s19+s3] =	stream.linear.scatter [tilespmem:s30], [sflag:$0x2], $0x20, $0x38;
	[tilespmem:$0x10880] =	vst v63  }
0x129: {  	s29 =	sadd.s32 $0x1, s29;
	_ =	swait.ge [sflag:s22], $0x20  }
0x12a: {  	p0 =	sne.s32 s29, s21;
	[sflag:s22] =	ssyncset.done $0x0  }
.Ltmp2:
0x12b: {  	s31 =	simm.s32 $0x10800;
	[sflag:s22] =	ssyncadd.s32 $0xFFFFFFE0;
	(pc) =	sbr.rel @p0 .LBB2_1-.Ltmp2, $4  }
0x12c: {  	[hbm4b:s20+s3] =	stream.linear.scatter [tilespmem:s31], [sflag:$0x2], $0x20, $0x38;
	[tilespmem:$0x10880] =	vst v63  }
0x12d: {  	_ =	swait.ge [sflag:s22], $0x20  }
0x12e: {  	[sflag:s22] =	ssyncset.done $0x0  }
0x12f: {  	[sflag:s22] =	ssyncadd.s32 $0xFFFFFFE0  }
0x130: {  	_ =	sfence.sel $0x180000  }
0x131: {  	[bflag:$0x0] =	sbarrier.arrive $0xFFFF  }
0x132: {  	_ =	strace $0x90000047  }
0x133: {  	s0 =	stileid.u32;
	[bflag:$0x2] =	sbarrier.arrive $0xFFFF  }
0x134: {  	p0 =	sne.s32 s0, $0x0;
	s0 =	rddreg [dreg:$0x3]  }
0x135: {  	s0 =	sadd.s32 @!p0 $0x100000, s0  }
0x136: {  	[sflag:s0] =	ssyncadd.tile.s32 @!p0 $0x1;
	_ =	shalt  }
.Lfunc_end2:
_tile_overlayer_lowered:
.L_overlay_start_2:
0x137: {  	(tag) =	ssettag $0x2  }
0x138: {  	s0 =	rddreg [dreg:$0x0];
	s2 =	stileid.u32  }
0x139: {  	s1 =	rddreg [dreg:$0x1];
	p0 =	sne.s32 s2, $0x0  }
0x13a: {  	s3 =	rddreg [dreg:$0x2];
	[bflag:$0x3] =	sbarrier.arrive $0xFFFF;
	s2 =	simm.s32 @!p0 $0x1C02  }
0x13b: {  	[timem:s3], [sflag:s2] =	dma.local @!p0 [hbm:s0], s1  }
0x13c: {  	s0 =	simm.s32 @!p0 $0x2  }
0x13d: {  	_ =	swait.ge @!p0 [sflag:s0], s1  }
0x13e: {  	s1 =	ssub.s32 @!p0 $0x0, s1;
	[sflag:s0] =	ssyncset.done @!p0 $0x0  }
0x13f: {  	[sflag:s0] =	ssyncadd.s32 @!p0 s1  }
0x140: {  	[bflag:$0x3] =	sbarrier.arrive $0xFFFF  }
0x141: {  	_ =	shalt  }

</sc_bundles>
